<compile_context>
chip_gen: v7x
topology: tpu7x:2x2x1
jax: 0.10.2.dev20260603
libtpu: 0.0.44.dev20260713+nightly
codegen_flags: <defaults>
</compile_context>

<pallas_src>
import functools

import jax
import jax.numpy as jnp
from jax import lax
from jax.experimental import pallas as pl
from jax.experimental.pallas import tpu as pltpu
from jax.experimental.pallas import tpu_sc as plsc

C = 21
K = 1024
HSIZE = 2 * C * K
THALF = C * K
NW = 32
N_PIX = 4 * 512 * 512
PIX_PER_W = N_PIX // NW
CHUNK = 512
GROUPS = CHUNK // 16
N_CHUNKS = PIX_PER_W // CHUNK
HW = 512 * 512


def _sc_hist_kernel(pred_hbm, target_hbm, out_hbm,
                    pbuf0, tbuf0, pbuf1, tbuf1, stage, hist, sem0, sem1):
    cid = lax.axis_index("c")
    sid = lax.axis_index("s")
    w = sid * 2 + cid
    b = w // (NW // 4)
    base_row = (w % (NW // 4)) * (PIX_PER_W // 512)

    zeros16 = jnp.zeros((16,), jnp.int32)
    ones16 = jnp.ones((16,), jnp.int32)
    lane = lax.iota(jnp.int32, 16)

    def zero_body(i, _):
        hist[pl.ds(i * 16, 16)] = zeros16
        return _

    lax.fori_loop(0, HSIZE // 16, zero_body, None)

    def copies(ci, pbuf, tbuf, sem):
        row = base_row + ci
        return (pltpu.make_async_copy(
                    pred_hbm.at[b, :, row, :], pbuf, sem),
                pltpu.make_async_copy(
                    target_hbm.at[b, row, :], tbuf, sem))

    def start(ci, pbuf, tbuf, sem):
        for cp in copies(ci, pbuf, tbuf, sem):
            cp.start()

    def wait(ci, pbuf, tbuf, sem):
        for cp in copies(ci, pbuf, tbuf, sem):
            cp.wait()

    def compute_chunk(pbuf, tbuf):
        def tree_sum(xs):
            while len(xs) > 1:
                odd = [xs[-1]] if len(xs) % 2 else []
                xs = [xs[i] + xs[i + 1]
                      for i in range(0, len(xs) - 1, 2)] + odd
            return xs[0]

        def group_body(g, _):
            gb = g * 16
            t = tbuf[pl.ds(gb, 16)]
            exps = [jnp.exp(pbuf[c, pl.ds(gb, 16)]) for c in range(C)]
            rk = float(K) / tree_sum(exps)
            for c in range(C):
                pk = jnp.minimum(exps[c] * rk, float(K) - 0.5)
                flat = pk.astype(jnp.int32) + jnp.where(
                    t == c, c * K + THALF, c * K)
                plsc.addupdate_scatter(hist, [flat], ones16)
            return _

        lax.fori_loop(0, GROUPS, group_body, None)

    start(0, pbuf0, tbuf0, sem0)

    def pair_body(ci2, _):
        c0 = ci2 * 2
        start(c0 + 1, pbuf1, tbuf1, sem1)
        wait(c0, pbuf0, tbuf0, sem0)
        compute_chunk(pbuf0, tbuf0)

        @pl.when(c0 + 2 < N_CHUNKS)
        def _start_next():
            start(c0 + 2, pbuf0, tbuf0, sem0)

        wait(c0 + 1, pbuf1, tbuf1, sem1)
        compute_chunk(pbuf1, tbuf1)
        return _

    lax.fori_loop(0, N_CHUNKS // 2, pair_body, None)
    pltpu.sync_copy(hist, out_hbm.at[w])


def _tc_finalize_body(h_ref, out_ref):
    h = jnp.sum(h_ref[...], axis=0).astype(jnp.float32)
    row = lax.broadcasted_iota(jnp.int32, (K, K), 0)
    col = lax.broadcasted_iota(jnp.int32, (K, K), 1)
    flipm = (row + col == K - 1).astype(jnp.float32)
    mf = jnp.dot(h[C:, :], flipm, preferred_element_type=jnp.float32,
                 precision=lax.Precision.HIGHEST)
    nf = h[:C, :] + mf
    tri = (row >= col).astype(jnp.float32)
    cum_n = jnp.dot(nf, tri, preferred_element_type=jnp.float32,
                    precision=lax.Precision.HIGHEST)
    cum_t = jnp.dot(mf, tri, preferred_element_type=jnp.float32,
                    precision=lax.Precision.HIGHEST)
    g = cum_t[:, 0:1]

    def jac(nn, tt):
        return 1.0 - (g - tt) / jnp.maximum(g + nn - tt, 1.0)

    j_in = jac(cum_n, cum_t)
    j_ex = jac(cum_n - nf, cum_t - mf)
    v = (lax.broadcasted_iota(jnp.int32, (C, K), 1).astype(jnp.float32)
         + 0.5) / K
    loss_c = jnp.sum(v * (j_in - j_ex), axis=1, keepdims=True)
    present = g > 0.0
    total = jnp.sum(jnp.where(present, loss_c, 0.0), keepdims=True)
    cnt = jnp.sum(present.astype(jnp.float32), keepdims=True)
    out_ref[...] = jnp.where(cnt > 0.0, total / jnp.maximum(cnt, 1.0), 0.0)


@jax.jit
def kernel(pred, target):
    pred_r = pred
    target_r = target.astype(jnp.int32)

    mesh = plsc.VectorSubcoreMesh(core_axis_name="c", subcore_axis_name="s")
    hist = pl.kernel(
        _sc_hist_kernel,
        out_type=jax.ShapeDtypeStruct((NW, HSIZE), jnp.int32),
        mesh=mesh,
        scratch_types=[
            pltpu.VMEM((C, CHUNK), jnp.float32),
            pltpu.VMEM((CHUNK,), jnp.int32),
            pltpu.VMEM((C, CHUNK), jnp.float32),
            pltpu.VMEM((CHUNK,), jnp.int32),
            pltpu.VMEM((16 * C,), jnp.int32),
            pltpu.VMEM((HSIZE,), jnp.int32),
            pltpu.SemaphoreType.DMA,
            pltpu.SemaphoreType.DMA,
        ],
        compiler_params=pltpu.CompilerParams(needs_layout_passes=False),
    )(pred_r, target_r)

    out = pl.pallas_call(
        _tc_finalize_body,
        out_shape=jax.ShapeDtypeStruct((1, 1), jnp.float32),
    )(hist.reshape(NW, 2 * C, K))

    return out.reshape(())

# --- scband reference (transcript-rebuilt; emitter-appended) ---
"""Pipeline reference for scband-lovasz-softmax-loss-36051955483255 (READ-ONLY COPY).

The authoritative reference and input builder live on the scoring server;
editing this copy changes nothing except your own understanding.
"""

import jax, jax.numpy as jnp
import numpy as np


def setup_inputs(seed: int = 0) -> dict:
    key = jax.random.key(seed)
    k1, k2 = jax.random.split(key)
    pred = jax.random.normal(k1, (4, 21, 512, 512), dtype=jnp.float32)
    target = jax.random.randint(k2, (4, 512, 512), 0, 21, dtype=jnp.int64)
    return {"pred": pred, "target": target}


def _lovasz_softmax(pred, target):
    # pred: (B, C, H, W) logits; target: (B, H, W) int labels
    C = pred.shape[1]
    p = jax.nn.softmax(pred, axis=1)
    p = jnp.transpose(p, (0, 2, 3, 1)).reshape(-1, C)
    t = target.reshape(-1)
    total = jnp.array(0.0, dtype=jnp.float32)
    count = jnp.array(0.0, dtype=jnp.float32)
    for c in range(C):
        target_c = (t == c).astype(jnp.float32)
        present = jnp.sum(target_c) > 0.0
        pred_c = p[:, c]
        errors = jnp.abs(target_c - pred_c)
        perm = jnp.argsort(-errors)  # descending sort
        errors_sorted = errors[perm]
        target_sorted = target_c[perm]
        gts = jnp.sum(target_sorted)
        intersection = gts - jnp.cumsum(target_sorted)
        union = gts + jnp.cumsum(1.0 - target_sorted)
        jaccard = 1.0 - intersection / union
        jaccard = jnp.concatenate([jaccard[:1], jaccard[1:] - jaccard[:-1]])
        loss_c = jnp.sum(jaccard * errors_sorted)
        total = total + jnp.where(present, loss_c, 0.0)
        count = count + jnp.where(present, 1.0, 0.0)
    return jnp.where(count > 0.0, total / count, jnp.array(0.0, dtype=jnp.float32))


def reference(pred, target):
    return _lovasz_softmax(pred, target)

if __name__ == "__main__":
    import jax
    _d = setup_inputs()
    print(jax.jit(kernel)(*tuple(_d.values())))

</pallas_src>

<mosaic_0001>
#map = affine_map<(d0, d1) -> (0, 0, 0, 0)>
#map1 = affine_map<(d0, d1) -> (0, 0, 0)>
#map2 = affine_map<(d0, d1) -> (0, 0)>
module attributes {stable_mosaic.version = 14 : i64} {
  func.func @_sc_hist_kernel(%arg0: i32, %arg1: i32, %arg2: memref<4x21x512x512xf32, #tpu.memory_space<hbm>>, %arg3: memref<4x512x512xi32, #tpu.memory_space<hbm>>, %arg4: memref<32x43008xi32, #tpu.memory_space<hbm>>, %arg5: memref<21x512xf32, #tpu.memory_space<vmem>>, %arg6: memref<512xi32, #tpu.memory_space<vmem>>, %arg7: memref<21x512xf32, #tpu.memory_space<vmem>>, %arg8: memref<512xi32, #tpu.memory_space<vmem>>, %arg9: memref<336xi32, #tpu.memory_space<vmem>>, %arg10: memref<43008xi32, #tpu.memory_space<vmem>>, %arg11: memref<!tpu.dma_semaphore, #tpu.memory_space<semaphore_mem>>, %arg12: memref<!tpu.dma_semaphore, #tpu.memory_space<semaphore_mem>>) attributes {dimension_semantics = [#tpu.dimension_semantics<core_parallel>, #tpu.dimension_semantics<subcore_parallel>], iteration_bounds = array<i64: 2, 16>, scalar_prefetch = 0 : i64, scratch_operands = 8 : i64, tpu.core_type = #tpu.core_type<sc_vector_subcore>, window_params = [{transform_indices = #map}, {transform_indices = #map1}, {transform_indices = #map2}]} {
    %mul3A = arith.constant 2 : i32
    %mul3A_0 = arith.muli %arg1, %mul3A : i32
    %add3A = arith.addi %mul3A_0, %arg0 : i32
    %jit3A = arith.constant 8 : i32
    %div3A = arith.divsi %add3A, %jit3A : i32
    %sign3A = arith.constant 0 : i32
    %sign3A_1 = arith.cmpi sgt, %add3A, %sign3A : i32
    %sign3A_2 = arith.extui %sign3A_1 : i1 to i32
    %sign3A_3 = arith.constant 0 : i32
    %sign3A_4 = arith.cmpi slt, %add3A, %sign3A_3 : i32
    %sign3A_5 = arith.extui %sign3A_4 : i1 to i32
    %sign3A_6 = arith.subi %sign3A_2, %sign3A_5 : i32
    %sign3A_7 = arith.constant 0 : i32
    %sign3A_8 = arith.cmpi sgt, %jit3A, %sign3A_7 : i32
    %sign3A_9 = arith.extui %sign3A_8 : i1 to i32
    %sign3A_10 = arith.constant 0 : i32
    %sign3A_11 = arith.cmpi slt, %jit3A, %sign3A_10 : i32
    %sign3A_12 = arith.extui %sign3A_11 : i1 to i32
    %sign3A_13 = arith.subi %sign3A_9, %sign3A_12 : i32
    %ne3A = arith.cmpi ne, %sign3A_6, %sign3A_13 : i32
    %rem3A = arith.remsi %add3A, %jit3A : i32
    %ne3A_14 = arith.constant 0 : i32
    %ne3A_15 = arith.cmpi ne, %rem3A, %ne3A_14 : i32
    %and3A = arith.andi %ne3A, %ne3A_15 : i1
    %sub3A = arith.constant 1 : i32
    %sub3A_16 = arith.subi %div3A, %sub3A : i32
    %select_n3A = arith.select %and3A, %sub3A_16, %div3A : i32
    %jit3A_17 = arith.constant 8 : i32
    %eq3A = arith.constant 0 : i32
    %eq3A_18 = arith.cmpi eq, %jit3A_17, %eq3A : i32
    %jit3A_19 = arith.constant 1 : i32
    %select_n3A_20 = arith.select %eq3A_18, %jit3A_19, %jit3A_17 : i32
    %rem3A_21 = arith.remsi %add3A, %select_n3A_20 : i32
    %ne3A_22 = arith.constant 0 : i32
    %ne3A_23 = arith.cmpi ne, %rem3A_21, %ne3A_22 : i32
    %lt3A = arith.constant 0 : i32
    %lt3A_24 = arith.cmpi slt, %rem3A_21, %lt3A : i32
    %lt3A_25 = arith.constant 0 : i32
    %lt3A_26 = arith.cmpi slt, %select_n3A_20, %lt3A_25 : i32
    %ne3A_27 = arith.xori %lt3A_24, %lt3A_26 : i1
    %and3A_28 = arith.andi %ne3A_27, %ne3A_23 : i1
    %add3A_29 = arith.addi %rem3A_21, %select_n3A_20 : i32
    %select_n3A_30 = arith.select %and3A_28, %add3A_29, %rem3A_21 : i32
    %mul3A_31 = arith.constant 64 : i32
    %mul3A_32 = arith.muli %select_n3A_30, %mul3A_31 : i32
    %broadcast_in_dim3A = arith.constant 0 : i32
    %broadcast_in_dim3A_33 = vector.broadcast %broadcast_in_dim3A : i32 to vector<16xi32>
    %broadcast_in_dim3A_34 = arith.constant 1 : i32
    %broadcast_in_dim3A_35 = vector.broadcast %broadcast_in_dim3A_34 : i32 to vector<16xi32>
    %iota3A = tpu.iota {dimensions = array<i32: 0>} : vector<16xi32>
    %scan3A = arith.constant 0 : i32
    %scan3A_36 = arith.constant 2688 : i32
    %scan3A_37 = arith.addi %scan3A, %scan3A_36 : i32
    %scan3A_38 = arith.constant 1 : i32
    scf.for %scan3A_60 = %scan3A to %scan3A_37 step %scan3A_38  : i32 {
      %mul3A_61 = arith.constant 16 : i32
      %mul3A_62 = arith.muli %scan3A_60, %mul3A_61 : i32
      %swap3A = arith.index_cast %mul3A_62 : i32 to index
      %swap3A_63 = tpu.vector_load %arg10[%swap3A] {strides = array<i32>} : memref<43008xi32, #tpu.memory_space<vmem>>, vector<16xi32>,
      tpu.vector_store %arg10[%swap3A], %broadcast_in_dim3A_33 {strides = array<i32>} : memref<43008xi32, #tpu.memory_space<vmem>>, vector<16xi32>,
    }
    %scan3A_39 = arith.constant 2688 : i32
    %add3A_40 = arith.constant 0 : i32
    %add3A_41 = arith.addi %mul3A_32, %add3A_40 : i32
    %dma_start3A = arith.constant 0 : i32
    %dma_start3A_42 = arith.constant 0 : i32
    %dma_start3A_43 = tpu.memref_slice %arg2[%select_n3A, %dma_start3A, %add3A_41, %dma_start3A_42] : memref<4x21x512x512xf32, #tpu.memory_space<hbm>> -> memref<1x21x1x512xf32, #tpu.memory_space<hbm>>
    %dma_start3A_44 = tpu.memref_squeeze %dma_start3A_43 : memref<1x21x1x512xf32, #tpu.memory_space<hbm>> -> memref<21x512xf32, #tpu.memory_space<hbm>>
    %dma_start3A_45 = arith.constant 0 : i32
    %dma_start3A_46 = arith.constant 0 : i32
    %dma_start3A_47 = tpu.memref_slice %arg2[%select_n3A, %dma_start3A_45, %add3A_41, %dma_start3A_46] : memref<4x21x512x512xf32, #tpu.memory_space<hbm>> -> memref<1x21x1x512xf32, #tpu.memory_space<hbm>>
    %dma_start3A_48 = tpu.memref_squeeze %dma_start3A_47 : memref<1x21x1x512xf32, #tpu.memory_space<hbm>> -> memref<21x512xf32, #tpu.memory_space<hbm>>
    tpu.enqueue_dma source(%dma_start3A_48 : memref<21x512xf32, #tpu.memory_space<hbm>>) target(%arg5 : memref<21x512xf32, #tpu.memory_space<vmem>>) target_semaphore(%arg11 : memref<!tpu.dma_semaphore, #tpu.memory_space<semaphore_mem>>)
    %dma_start3A_49 = arith.constant 0 : i32
    %dma_start3A_50 = tpu.memref_slice %arg3[%select_n3A, %add3A_41, %dma_start3A_49] : memref<4x512x512xi32, #tpu.memory_space<hbm>> -> memref<1x1x512xi32, #tpu.memory_space<hbm>>
    %dma_start3A_51 = tpu.memref_squeeze %dma_start3A_50 : memref<1x1x512xi32, #tpu.memory_space<hbm>> -> memref<512xi32, #tpu.memory_space<hbm>>
    %dma_start3A_52 = arith.constant 0 : i32
    %dma_start3A_53 = tpu.memref_slice %arg3[%select_n3A, %add3A_41, %dma_start3A_52] : memref<4x512x512xi32, #tpu.memory_space<hbm>> -> memref<1x1x512xi32, #tpu.memory_space<hbm>>
    %dma_start3A_54 = tpu.memref_squeeze %dma_start3A_53 : memref<1x1x512xi32, #tpu.memory_space<hbm>> -> memref<512xi32, #tpu.memory_space<hbm>>
    tpu.enqueue_dma source(%dma_start3A_54 : memref<512xi32, #tpu.memory_space<hbm>>) target(%arg6 : memref<512xi32, #tpu.memory_space<vmem>>) target_semaphore(%arg11 : memref<!tpu.dma_semaphore, #tpu.memory_space<semaphore_mem>>)
    %scan3A_55 = arith.constant 0 : i32
    %scan3A_56 = arith.constant 32 : i32
    %scan3A_57 = arith.addi %scan3A_55, %scan3A_56 : i32
    %scan3A_58 = arith.constant 1 : i32
    scf.for %scan3A_60 = %scan3A_55 to %scan3A_57 step %scan3A_58  : i32 {
      %mul3A_61 = arith.constant 2 : i32
      %mul3A_62 = arith.muli %scan3A_60, %mul3A_61 : i32
      %add3A_63 = arith.constant 1 : i32
      %add3A_64 = arith.addi %mul3A_62, %add3A_63 : i32
      %add3A_65 = arith.addi %mul3A_32, %add3A_64 : i32
      %dma_start3A_66 = arith.constant 0 : i32
      %dma_start3A_67 = arith.constant 0 : i32
      %dma_start3A_68 = tpu.memref_slice %arg2[%select_n3A, %dma_start3A_66, %add3A_65, %dma_start3A_67] : memref<4x21x512x512xf32, #tpu.memory_space<hbm>> -> memref<1x21x1x512xf32, #tpu.memory_space<hbm>>
      %dma_start3A_69 = tpu.memref_squeeze %dma_start3A_68 : memref<1x21x1x512xf32, #tpu.memory_space<hbm>> -> memref<21x512xf32, #tpu.memory_space<hbm>>
      %dma_start3A_70 = arith.constant 0 : i32
      %dma_start3A_71 = arith.constant 0 : i32
      %dma_start3A_72 = tpu.memref_slice %arg2[%select_n3A, %dma_start3A_70, %add3A_65, %dma_start3A_71] : memref<4x21x512x512xf32, #tpu.memory_space<hbm>> -> memref<1x21x1x512xf32, #tpu.memory_space<hbm>>
      %dma_start3A_73 = tpu.memref_squeeze %dma_start3A_72 : memref<1x21x1x512xf32, #tpu.memory_space<hbm>> -> memref<21x512xf32, #tpu.memory_space<hbm>>
      tpu.enqueue_dma source(%dma_start3A_73 : memref<21x512xf32, #tpu.memory_space<hbm>>) target(%arg7 : memref<21x512xf32, #tpu.memory_space<vmem>>) target_semaphore(%arg12 : memref<!tpu.dma_semaphore, #tpu.memory_space<semaphore_mem>>)
      %dma_start3A_74 = arith.constant 0 : i32
      %dma_start3A_75 = tpu.memref_slice %arg3[%select_n3A, %add3A_65, %dma_start3A_74] : memref<4x512x512xi32, #tpu.memory_space<hbm>> -> memref<1x1x512xi32, #tpu.memory_space<hbm>>
      %dma_start3A_76 = tpu.memref_squeeze %dma_start3A_75 : memref<1x1x512xi32, #tpu.memory_space<hbm>> -> memref<512xi32, #tpu.memory_space<hbm>>
      %dma_start3A_77 = arith.constant 0 : i32
      %dma_start3A_78 = tpu.memref_slice %arg3[%select_n3A, %add3A_65, %dma_start3A_77] : memref<4x512x512xi32, #tpu.memory_space<hbm>> -> memref<1x1x512xi32, #tpu.memory_space<hbm>>
      %dma_start3A_79 = tpu.memref_squeeze %dma_start3A_78 : memref<1x1x512xi32, #tpu.memory_space<hbm>> -> memref<512xi32, #tpu.memory_space<hbm>>
      tpu.enqueue_dma source(%dma_start3A_79 : memref<512xi32, #tpu.memory_space<hbm>>) target(%arg8 : memref<512xi32, #tpu.memory_space<vmem>>) target_semaphore(%arg12 : memref<!tpu.dma_semaphore, #tpu.memory_space<semaphore_mem>>)
      %add3A_80 = arith.addi %mul3A_32, %mul3A_62 : i32
      %dma_wait3A = arith.constant 0 : i32
      %dma_wait3A_81 = arith.constant 0 : i32
      %dma_wait3A_82 = tpu.memref_slice %arg2[%select_n3A, %dma_wait3A, %add3A_80, %dma_wait3A_81] : memref<4x21x512x512xf32, #tpu.memory_space<hbm>> -> memref<1x21x1x512xf32, #tpu.memory_space<hbm>>
      %dma_wait3A_83 = tpu.memref_squeeze %dma_wait3A_82 : memref<1x21x1x512xf32, #tpu.memory_space<hbm>> -> memref<21x512xf32, #tpu.memory_space<hbm>>
      %dma_wait3A_84 = arith.constant 0 : i32
      %dma_wait3A_85 = arith.constant 0 : i32
      %dma_wait3A_86 = tpu.memref_slice %arg2[%select_n3A, %dma_wait3A_84, %add3A_80, %dma_wait3A_85] : memref<4x21x512x512xf32, #tpu.memory_space<hbm>> -> memref<1x21x1x512xf32, #tpu.memory_space<hbm>>
      %dma_wait3A_87 = tpu.memref_squeeze %dma_wait3A_86 : memref<1x21x1x512xf32, #tpu.memory_space<hbm>> -> memref<21x512xf32, #tpu.memory_space<hbm>>
      tpu.wait_dma2 semaphore(%arg11 : memref<!tpu.dma_semaphore, #tpu.memory_space<semaphore_mem>>) src(%dma_wait3A_87 : memref<21x512xf32, #tpu.memory_space<hbm>>) dst(%arg5 : memref<21x512xf32, #tpu.memory_space<vmem>>)
      %dma_wait3A_88 = arith.constant 0 : i32
      %dma_wait3A_89 = tpu.memref_slice %arg3[%select_n3A, %add3A_80, %dma_wait3A_88] : memref<4x512x512xi32, #tpu.memory_space<hbm>> -> memref<1x1x512xi32, #tpu.memory_space<hbm>>
      %dma_wait3A_90 = tpu.memref_squeeze %dma_wait3A_89 : memref<1x1x512xi32, #tpu.memory_space<hbm>> -> memref<512xi32, #tpu.memory_space<hbm>>
      %dma_wait3A_91 = arith.constant 0 : i32
      %dma_wait3A_92 = tpu.memref_slice %arg3[%select_n3A, %add3A_80, %dma_wait3A_91] : memref<4x512x512xi32, #tpu.memory_space<hbm>> -> memref<1x1x512xi32, #tpu.memory_space<hbm>>
      %dma_wait3A_93 = tpu.memref_squeeze %dma_wait3A_92 : memref<1x1x512xi32, #tpu.memory_space<hbm>> -> memref<512xi32, #tpu.memory_space<hbm>>
      tpu.wait_dma2 semaphore(%arg11 : memref<!tpu.dma_semaphore, #tpu.memory_space<semaphore_mem>>) src(%dma_wait3A_93 : memref<512xi32, #tpu.memory_space<hbm>>) dst(%arg6 : memref<512xi32, #tpu.memory_space<vmem>>)
      %scan3A_94 = arith.constant 0 : i32
      %scan3A_95 = arith.constant 32 : i32
      %scan3A_96 = arith.addi %scan3A_94, %scan3A_95 : i32
      %scan3A_97 = arith.constant 1 : i32
      scf.for %scan3A_126 = %scan3A_94 to %scan3A_96 step %scan3A_97  : i32 {
        %mul3A_127 = arith.constant 16 : i32
        %mul3A_128 = arith.muli %scan3A_126, %mul3A_127 : i32
        %get3A = arith.index_cast %mul3A_128 : i32 to index
        %get3A_129 = tpu.vector_load %arg6[%get3A] {strides = array<i32>} : memref<512xi32, #tpu.memory_space<vmem>>, vector<16xi32>,
        %get3A_130 = arith.constant 0 : i32
        %get3A_131 = arith.index_cast %get3A_130 : i32 to index
        %get3A_132 = arith.index_cast %mul3A_128 : i32 to index
        %get3A_133 = tpu.vector_load %arg5[%get3A_131, %get3A_132] {strides = array<i32>} : memref<21x512xf32, #tpu.memory_space<vmem>>, vector<16xf32>,
        %exp3A = math.exp %get3A_133 : vector<16xf32>
        %get3A_134 = arith.constant 1 : i32
        %get3A_135 = arith.index_cast %get3A_134 : i32 to index
        %get3A_136 = arith.index_cast %mul3A_128 : i32 to index
        %get3A_137 = tpu.vector_load %arg5[%get3A_135, %get3A_136] {strides = array<i32>} : memref<21x512xf32, #tpu.memory_space<vmem>>, vector<16xf32>,
        %exp3A_138 = math.exp %get3A_137 : vector<16xf32>
        %get3A_139 = arith.constant 2 : i32
        %get3A_140 = arith.index_cast %get3A_139 : i32 to index
        %get3A_141 = arith.index_cast %mul3A_128 : i32 to index
        %get3A_142 = tpu.vector_load %arg5[%get3A_140, %get3A_141] {strides = array<i32>} : memref<21x512xf32, #tpu.memory_space<vmem>>, vector<16xf32>,
        %exp3A_143 = math.exp %get3A_142 : vector<16xf32>
        %get3A_144 = arith.constant 3 : i32
        %get3A_145 = arith.index_cast %get3A_144 : i32 to index
        %get3A_146 = arith.index_cast %mul3A_128 : i32 to index
        %get3A_147 = tpu.vector_load %arg5[%get3A_145, %get3A_146] {strides = array<i32>} : memref<21x512xf32, #tpu.memory_space<vmem>>, vector<16xf32>,
        %exp3A_148 = math.exp %get3A_147 : vector<16xf32>
        %get3A_149 = arith.constant 4 : i32
        %get3A_150 = arith.index_cast %get3A_149 : i32 to index
        %get3A_151 = arith.index_cast %mul3A_128 : i32 to index
        %get3A_152 = tpu.vector_load %arg5[%get3A_150, %get3A_151] {strides = array<i32>} : memref<21x512xf32, #tpu.memory_space<vmem>>, vector<16xf32>,
        %exp3A_153 = math.exp %get3A_152 : vector<16xf32>
        %get3A_154 = arith.constant 5 : i32
        %get3A_155 = arith.index_cast %get3A_154 : i32 to index
        %get3A_156 = arith.index_cast %mul3A_128 : i32 to index
        %get3A_157 = tpu.vector_load %arg5[%get3A_155, %get3A_156] {strides = array<i32>} : memref<21x512xf32, #tpu.memory_space<vmem>>, vector<16xf32>,
        %exp3A_158 = math.exp %get3A_157 : vector<16xf32>
        %get3A_159 = arith.constant 6 : i32
        %get3A_160 = arith.index_cast %get3A_159 : i32 to index
        %get3A_161 = arith.index_cast %mul3A_128 : i32 to index
        %get3A_162 = tpu.vector_load %arg5[%get3A_160, %get3A_161] {strides = array<i32>} : memref<21x512xf32, #tpu.memory_space<vmem>>, vector<16xf32>,
        %exp3A_163 = math.exp %get3A_162 : vector<16xf32>
        %get3A_164 = arith.constant 7 : i32
        %get3A_165 = arith.index_cast %get3A_164 : i32 to index
        %get3A_166 = arith.index_cast %mul3A_128 : i32 to index
        %get3A_167 = tpu.vector_load %arg5[%get3A_165, %get3A_166] {strides = array<i32>} : memref<21x512xf32, #tpu.memory_space<vmem>>, vector<16xf32>,
        %exp3A_168 = math.exp %get3A_167 : vector<16xf32>
        %get3A_169 = arith.constant 8 : i32
        %get3A_170 = arith.index_cast %get3A_169 : i32 to index
        %get3A_171 = arith.index_cast %mul3A_128 : i32 to index
        %get3A_172 = tpu.vector_load %arg5[%get3A_170, %get3A_171] {strides = array<i32>} : memref<21x512xf32, #tpu.memory_space<vmem>>, vector<16xf32>,
        %exp3A_173 = math.exp %get3A_172 : vector<16xf32>
        %get3A_174 = arith.constant 9 : i32
        %get3A_175 = arith.index_cast %get3A_174 : i32 to index
        %get3A_176 = arith.index_cast %mul3A_128 : i32 to index
        %get3A_177 = tpu.vector_load %arg5[%get3A_175, %get3A_176] {strides = array<i32>} : memref<21x512xf32, #tpu.memory_space<vmem>>, vector<16xf32>,
        %exp3A_178 = math.exp %get3A_177 : vector<16xf32>
        %get3A_179 = arith.constant 10 : i32
        %get3A_180 = arith.index_cast %get3A_179 : i32 to index
        %get3A_181 = arith.index_cast %mul3A_128 : i32 to index
        %get3A_182 = tpu.vector_load %arg5[%get3A_180, %get3A_181] {strides = array<i32>} : memref<21x512xf32, #tpu.memory_space<vmem>>, vector<16xf32>,
        %exp3A_183 = math.exp %get3A_182 : vector<16xf32>
        %get3A_184 = arith.constant 11 : i32
        %get3A_185 = arith.index_cast %get3A_184 : i32 to index
        %get3A_186 = arith.index_cast %mul3A_128 : i32 to index
        %get3A_187 = tpu.vector_load %arg5[%get3A_185, %get3A_186] {strides = array<i32>} : memref<21x512xf32, #tpu.memory_space<vmem>>, vector<16xf32>,
        %exp3A_188 = math.exp %get3A_187 : vector<16xf32>
        %get3A_189 = arith.constant 12 : i32
        %get3A_190 = arith.index_cast %get3A_189 : i32 to index
        %get3A_191 = arith.index_cast %mul3A_128 : i32 to index
        %get3A_192 = tpu.vector_load %arg5[%get3A_190, %get3A_191] {strides = array<i32>} : memref<21x512xf32, #tpu.memory_space<vmem>>, vector<16xf32>,
        %exp3A_193 = math.exp %get3A_192 : vector<16xf32>
        %get3A_194 = arith.constant 13 : i32
        %get3A_195 = arith.index_cast %get3A_194 : i32 to index
        %get3A_196 = arith.index_cast %mul3A_128 : i32 to index
        %get3A_197 = tpu.vector_load %arg5[%get3A_195, %get3A_196] {strides = array<i32>} : memref<21x512xf32, #tpu.memory_space<vmem>>, vector<16xf32>,
        %exp3A_198 = math.exp %get3A_197 : vector<16xf32>
        %get3A_199 = arith.constant 14 : i32
        %get3A_200 = arith.index_cast %get3A_199 : i32 to index
        %get3A_201 = arith.index_cast %mul3A_128 : i32 to index
        %get3A_202 = tpu.vector_load %arg5[%get3A_200, %get3A_201] {strides = array<i32>} : memref<21x512xf32, #tpu.memory_space<vmem>>, vector<16xf32>,
        %exp3A_203 = math.exp %get3A_202 : vector<16xf32>
        %get3A_204 = arith.constant 15 : i32
        %get3A_205 = arith.index_cast %get3A_204 : i32 to index
        %get3A_206 = arith.index_cast %mul3A_128 : i32 to index
        %get3A_207 = tpu.vector_load %arg5[%get3A_205, %get3A_206] {strides = array<i32>} : memref<21x512xf32, #tpu.memory_space<vmem>>, vector<16xf32>,
        %exp3A_208 = math.exp %get3A_207 : vector<16xf32>
        %get3A_209 = arith.constant 16 : i32
        %get3A_210 = arith.index_cast %get3A_209 : i32 to index
        %get3A_211 = arith.index_cast %mul3A_128 : i32 to index
        %get3A_212 = tpu.vector_load %arg5[%get3A_210, %get3A_211] {strides = array<i32>} : memref<21x512xf32, #tpu.memory_space<vmem>>, vector<16xf32>,
        %exp3A_213 = math.exp %get3A_212 : vector<16xf32>
        %get3A_214 = arith.constant 17 : i32
        %get3A_215 = arith.index_cast %get3A_214 : i32 to index
        %get3A_216 = arith.index_cast %mul3A_128 : i32 to index
        %get3A_217 = tpu.vector_load %arg5[%get3A_215, %get3A_216] {strides = array<i32>} : memref<21x512xf32, #tpu.memory_space<vmem>>, vector<16xf32>,
        %exp3A_218 = math.exp %get3A_217 : vector<16xf32>
        %get3A_219 = arith.constant 18 : i32
        %get3A_220 = arith.index_cast %get3A_219 : i32 to index
        %get3A_221 = arith.index_cast %mul3A_128 : i32 to index
        %get3A_222 = tpu.vector_load %arg5[%get3A_220, %get3A_221] {strides = array<i32>} : memref<21x512xf32, #tpu.memory_space<vmem>>, vector<16xf32>,
        %exp3A_223 = math.exp %get3A_222 : vector<16xf32>
        %get3A_224 = arith.constant 19 : i32
        %get3A_225 = arith.index_cast %get3A_224 : i32 to index
        %get3A_226 = arith.index_cast %mul3A_128 : i32 to index
        %get3A_227 = tpu.vector_load %arg5[%get3A_225, %get3A_226] {strides = array<i32>} : memref<21x512xf32, #tpu.memory_space<vmem>>, vector<16xf32>,
        %exp3A_228 = math.exp %get3A_227 : vector<16xf32>
        %get3A_229 = arith.constant 20 : i32
        %get3A_230 = arith.index_cast %get3A_229 : i32 to index
        %get3A_231 = arith.index_cast %mul3A_128 : i32 to index
        %get3A_232 = tpu.vector_load %arg5[%get3A_230, %get3A_231] {strides = array<i32>} : memref<21x512xf32, #tpu.memory_space<vmem>>, vector<16xf32>,
        %exp3A_233 = math.exp %get3A_232 : vector<16xf32>
        %add3A_234 = arith.addf %exp3A, %exp3A_138 : vector<16xf32>
        %add3A_235 = arith.addf %exp3A_143, %exp3A_148 : vector<16xf32>
        %add3A_236 = arith.addf %exp3A_153, %exp3A_158 : vector<16xf32>
        %add3A_237 = arith.addf %exp3A_163, %exp3A_168 : vector<16xf32>
        %add3A_238 = arith.addf %exp3A_173, %exp3A_178 : vector<16xf32>
        %add3A_239 = arith.addf %exp3A_183, %exp3A_188 : vector<16xf32>
        %add3A_240 = arith.addf %exp3A_193, %exp3A_198 : vector<16xf32>
        %add3A_241 = arith.addf %exp3A_203, %exp3A_208 : vector<16xf32>
        %add3A_242 = arith.addf %exp3A_213, %exp3A_218 : vector<16xf32>
        %add3A_243 = arith.addf %exp3A_223, %exp3A_228 : vector<16xf32>
        %add3A_244 = arith.addf %add3A_234, %add3A_235 : vector<16xf32>
        %add3A_245 = arith.addf %add3A_236, %add3A_237 : vector<16xf32>
        %add3A_246 = arith.addf %add3A_238, %add3A_239 : vector<16xf32>
        %add3A_247 = arith.addf %add3A_240, %add3A_241 : vector<16xf32>
        %add3A_248 = arith.addf %add3A_242, %add3A_243 : vector<16xf32>
        %add3A_249 = arith.addf %add3A_244, %add3A_245 : vector<16xf32>
        %add3A_250 = arith.addf %add3A_246, %add3A_247 : vector<16xf32>
        %add3A_251 = arith.addf %add3A_248, %exp3A_233 : vector<16xf32>
        %add3A_252 = arith.addf %add3A_249, %add3A_250 : vector<16xf32>
        %add3A_253 = arith.addf %add3A_252, %add3A_251 : vector<16xf32>
        %div3A_254 = arith.constant 1.024000e+03 : f32
        %div3A_255 = vector.broadcast %div3A_254 : f32 to vector<16xf32>
        %div3A_256 = arith.divf %div3A_255, %add3A_253 : vector<16xf32>
        %mul3A_257 = arith.mulf %exp3A, %div3A_256 : vector<16xf32>
        %min3A = arith.constant 1.023500e+03 : f32
        %min3A_258 = vector.broadcast %min3A : f32 to vector<16xf32>
        %min3A_259 = arith.minimumf %mul3A_257, %min3A_258 : vector<16xf32>
        %convert_element_type3A_260 = arith.fptosi %min3A_259 : vector<16xf32> to vector<16xi32>
        %eq3A_261 = arith.constant 0 : i32
        %eq3A_262 = vector.broadcast %eq3A_261 : i32 to vector<16xi32>
        %eq3A_263 = arith.cmpi eq, %get3A_129, %eq3A_262 : vector<16xi32>
        %jit3A_264 = arith.constant 21504 : i32
        %jit3A_265 = arith.constant 0 : i32
        %broadcast_in_dim3A_266 = vector.broadcast %jit3A_264 : i32 to vector<16xi32>
        %broadcast_in_dim3A_267 = vector.broadcast %jit3A_265 : i32 to vector<16xi32>
        %select_n3A_268 = arith.select %eq3A_263, %broadcast_in_dim3A_266, %broadcast_in_dim3A_267 : vector<16xi1>, vector<16xi32>
        %add3A_269 = arith.addi %convert_element_type3A_260, %select_n3A_268 : vector<16xi32>
        tpu.vector_store_idx %arg10[%add3A_269], %broadcast_in_dim3A_35 {add = true} : memref<43008xi32, #tpu.memory_space<vmem>>[vector<16xi32>], vector<16xi32>,
        %mul3A_270 = arith.mulf %exp3A_138, %div3A_256 : vector<16xf32>
        %min3A_271 = arith.constant 1.023500e+03 : f32
        %min3A_272 = vector.broadcast %min3A_271 : f32 to vector<16xf32>
        %min3A_273 = arith.minimumf %mul3A_270, %min3A_272 : vector<16xf32>
        %convert_element_type3A_274 = arith.fptosi %min3A_273 : vector<16xf32> to vector<16xi32>
        %eq3A_275 = arith.constant 1 : i32
        %eq3A_276 = vector.broadcast %eq3A_275 : i32 to vector<16xi32>
        %eq3A_277 = arith.cmpi eq, %get3A_129, %eq3A_276 : vector<16xi32>
        %jit3A_278 = arith.constant 22528 : i32
        %jit3A_279 = arith.constant 1024 : i32
        %broadcast_in_dim3A_280 = vector.broadcast %jit3A_278 : i32 to vector<16xi32>
        %broadcast_in_dim3A_281 = vector.broadcast %jit3A_279 : i32 to vector<16xi32>
        %select_n3A_282 = arith.select %eq3A_277, %broadcast_in_dim3A_280, %broadcast_in_dim3A_281 : vector<16xi1>, vector<16xi32>
        %add3A_283 = arith.addi %convert_element_type3A_274, %select_n3A_282 : vector<16xi32>
        tpu.vector_store_idx %arg10[%add3A_283], %broadcast_in_dim3A_35 {add = true} : memref<43008xi32, #tpu.memory_space<vmem>>[vector<16xi32>], vector<16xi32>,
        %mul3A_284 = arith.mulf %exp3A_143, %div3A_256 : vector<16xf32>
        %min3A_285 = arith.constant 1.023500e+03 : f32
        %min3A_286 = vector.broadcast %min3A_285 : f32 to vector<16xf32>
        %min3A_287 = arith.minimumf %mul3A_284, %min3A_286 : vector<16xf32>
        %convert_element_type3A_288 = arith.fptosi %min3A_287 : vector<16xf32> to vector<16xi32>
        %eq3A_289 = arith.constant 2 : i32
        %eq3A_290 = vector.broadcast %eq3A_289 : i32 to vector<16xi32>
        %eq3A_291 = arith.cmpi eq, %get3A_129, %eq3A_290 : vector<16xi32>
        %jit3A_292 = arith.constant 23552 : i32
        %jit3A_293 = arith.constant 2048 : i32
        %broadcast_in_dim3A_294 = vector.broadcast %jit3A_292 : i32 to vector<16xi32>
        %broadcast_in_dim3A_295 = vector.broadcast %jit3A_293 : i32 to vector<16xi32>
        %select_n3A_296 = arith.select %eq3A_291, %broadcast_in_dim3A_294, %broadcast_in_dim3A_295 : vector<16xi1>, vector<16xi32>
        %add3A_297 = arith.addi %convert_element_type3A_288, %select_n3A_296 : vector<16xi32>
        tpu.vector_store_idx %arg10[%add3A_297], %broadcast_in_dim3A_35 {add = true} : memref<43008xi32, #tpu.memory_space<vmem>>[vector<16xi32>], vector<16xi32>,
        %mul3A_298 = arith.mulf %exp3A_148, %div3A_256 : vector<16xf32>
        %min3A_299 = arith.constant 1.023500e+03 : f32
        %min3A_300 = vector.broadcast %min3A_299 : f32 to vector<16xf32>
        %min3A_301 = arith.minimumf %mul3A_298, %min3A_300 : vector<16xf32>
        %convert_element_type3A_302 = arith.fptosi %min3A_301 : vector<16xf32> to vector<16xi32>
        %eq3A_303 = arith.constant 3 : i32
        %eq3A_304 = vector.broadcast %eq3A_303 : i32 to vector<16xi32>
        %eq3A_305 = arith.cmpi eq, %get3A_129, %eq3A_304 : vector<16xi32>
        %jit3A_306 = arith.constant 24576 : i32
        %jit3A_307 = arith.constant 3072 : i32
        %broadcast_in_dim3A_308 = vector.broadcast %jit3A_306 : i32 to vector<16xi32>
        %broadcast_in_dim3A_309 = vector.broadcast %jit3A_307 : i32 to vector<16xi32>
        %select_n3A_310 = arith.select %eq3A_305, %broadcast_in_dim3A_308, %broadcast_in_dim3A_309 : vector<16xi1>, vector<16xi32>
        %add3A_311 = arith.addi %convert_element_type3A_302, %select_n3A_310 : vector<16xi32>
        tpu.vector_store_idx %arg10[%add3A_311], %broadcast_in_dim3A_35 {add = true} : memref<43008xi32, #tpu.memory_space<vmem>>[vector<16xi32>], vector<16xi32>,
        %mul3A_312 = arith.mulf %exp3A_153, %div3A_256 : vector<16xf32>
        %min3A_313 = arith.constant 1.023500e+03 : f32
        %min3A_314 = vector.broadcast %min3A_313 : f32 to vector<16xf32>
        %min3A_315 = arith.minimumf %mul3A_312, %min3A_314 : vector<16xf32>
        %convert_element_type3A_316 = arith.fptosi %min3A_315 : vector<16xf32> to vector<16xi32>
        %eq3A_317 = arith.constant 4 : i32
        %eq3A_318 = vector.broadcast %eq3A_317 : i32 to vector<16xi32>
        %eq3A_319 = arith.cmpi eq, %get3A_129, %eq3A_318 : vector<16xi32>
        %jit3A_320 = arith.constant 25600 : i32
        %jit3A_321 = arith.constant 4096 : i32
        %broadcast_in_dim3A_322 = vector.broadcast %jit3A_320 : i32 to vector<16xi32>
        %broadcast_in_dim3A_323 = vector.broadcast %jit3A_321 : i32 to vector<16xi32>
        %select_n3A_324 = arith.select %eq3A_319, %broadcast_in_dim3A_322, %broadcast_in_dim3A_323 : vector<16xi1>, vector<16xi32>
        %add3A_325 = arith.addi %convert_element_type3A_316, %select_n3A_324 : vector<16xi32>
        tpu.vector_store_idx %arg10[%add3A_325], %broadcast_in_dim3A_35 {add = true} : memref<43008xi32, #tpu.memory_space<vmem>>[vector<16xi32>], vector<16xi32>,
        %mul3A_326 = arith.mulf %exp3A_158, %div3A_256 : vector<16xf32>
        %min3A_327 = arith.constant 1.023500e+03 : f32
        %min3A_328 = vector.broadcast %min3A_327 : f32 to vector<16xf32>
        %min3A_329 = arith.minimumf %mul3A_326, %min3A_328 : vector<16xf32>
        %convert_element_type3A_330 = arith.fptosi %min3A_329 : vector<16xf32> to vector<16xi32>
        %eq3A_331 = arith.constant 5 : i32
        %eq3A_332 = vector.broadcast %eq3A_331 : i32 to vector<16xi32>
        %eq3A_333 = arith.cmpi eq, %get3A_129, %eq3A_332 : vector<16xi32>
        %jit3A_334 = arith.constant 26624 : i32
        %jit3A_335 = arith.constant 5120 : i32
        %broadcast_in_dim3A_336 = vector.broadcast %jit3A_334 : i32 to vector<16xi32>
        %broadcast_in_dim3A_337 = vector.broadcast %jit3A_335 : i32 to vector<16xi32>
        %select_n3A_338 = arith.select %eq3A_333, %broadcast_in_dim3A_336, %broadcast_in_dim3A_337 : vector<16xi1>, vector<16xi32>
        %add3A_339 = arith.addi %convert_element_type3A_330, %select_n3A_338 : vector<16xi32>
        tpu.vector_store_idx %arg10[%add3A_339], %broadcast_in_dim3A_35 {add = true} : memref<43008xi32, #tpu.memory_space<vmem>>[vector<16xi32>], vector<16xi32>,
        %mul3A_340 = arith.mulf %exp3A_163, %div3A_256 : vector<16xf32>
        %min3A_341 = arith.constant 1.023500e+03 : f32
        %min3A_342 = vector.broadcast %min3A_341 : f32 to vector<16xf32>
        %min3A_343 = arith.minimumf %mul3A_340, %min3A_342 : vector<16xf32>
        %convert_element_type3A_344 = arith.fptosi %min3A_343 : vector<16xf32> to vector<16xi32>
        %eq3A_345 = arith.constant 6 : i32
        %eq3A_346 = vector.broadcast %eq3A_345 : i32 to vector<16xi32>
        %eq3A_347 = arith.cmpi eq, %get3A_129, %eq3A_346 : vector<16xi32>
        %jit3A_348 = arith.constant 27648 : i32
        %jit3A_349 = arith.constant 6144 : i32
        %broadcast_in_dim3A_350 = vector.broadcast %jit3A_348 : i32 to vector<16xi32>
        %broadcast_in_dim3A_351 = vector.broadcast %jit3A_349 : i32 to vector<16xi32>
        %select_n3A_352 = arith.select %eq3A_347, %broadcast_in_dim3A_350, %broadcast_in_dim3A_351 : vector<16xi1>, vector<16xi32>
        %add3A_353 = arith.addi %convert_element_type3A_344, %select_n3A_352 : vector<16xi32>
        tpu.vector_store_idx %arg10[%add3A_353], %broadcast_in_dim3A_35 {add = true} : memref<43008xi32, #tpu.memory_space<vmem>>[vector<16xi32>], vector<16xi32>,
        %mul3A_354 = arith.mulf %exp3A_168, %div3A_256 : vector<16xf32>
        %min3A_355 = arith.constant 1.023500e+03 : f32
        %min3A_356 = vector.broadcast %min3A_355 : f32 to vector<16xf32>
        %min3A_357 = arith.minimumf %mul3A_354, %min3A_356 : vector<16xf32>
        %convert_element_type3A_358 = arith.fptosi %min3A_357 : vector<16xf32> to vector<16xi32>
        %eq3A_359 = arith.constant 7 : i32
        %eq3A_360 = vector.broadcast %eq3A_359 : i32 to vector<16xi32>
        %eq3A_361 = arith.cmpi eq, %get3A_129, %eq3A_360 : vector<16xi32>
        %jit3A_362 = arith.constant 28672 : i32
        %jit3A_363 = arith.constant 7168 : i32
        %broadcast_in_dim3A_364 = vector.broadcast %jit3A_362 : i32 to vector<16xi32>
        %broadcast_in_dim3A_365 = vector.broadcast %jit3A_363 : i32 to vector<16xi32>
        %select_n3A_366 = arith.select %eq3A_361, %broadcast_in_dim3A_364, %broadcast_in_dim3A_365 : vector<16xi1>, vector<16xi32>
        %add3A_367 = arith.addi %convert_element_type3A_358, %select_n3A_366 : vector<16xi32>
        tpu.vector_store_idx %arg10[%add3A_367], %broadcast_in_dim3A_35 {add = true} : memref<43008xi32, #tpu.memory_space<vmem>>[vector<16xi32>], vector<16xi32>,
        %mul3A_368 = arith.mulf %exp3A_173, %div3A_256 : vector<16xf32>
        %min3A_369 = arith.constant 1.023500e+03 : f32
        %min3A_370 = vector.broadcast %min3A_369 : f32 to vector<16xf32>
        %min3A_371 = arith.minimumf %mul3A_368, %min3A_370 : vector<16xf32>
        %convert_element_type3A_372 = arith.fptosi %min3A_371 : vector<16xf32> to vector<16xi32>
        %eq3A_373 = arith.constant 8 : i32
        %eq3A_374 = vector.broadcast %eq3A_373 : i32 to vector<16xi32>
        %eq3A_375 = arith.cmpi eq, %get3A_129, %eq3A_374 : vector<16xi32>
        %jit3A_376 = arith.constant 29696 : i32
        %jit3A_377 = arith.constant 8192 : i32
        %broadcast_in_dim3A_378 = vector.broadcast %jit3A_376 : i32 to vector<16xi32>
        %broadcast_in_dim3A_379 = vector.broadcast %jit3A_377 : i32 to vector<16xi32>
        %select_n3A_380 = arith.select %eq3A_375, %broadcast_in_dim3A_378, %broadcast_in_dim3A_379 : vector<16xi1>, vector<16xi32>
        %add3A_381 = arith.addi %convert_element_type3A_372, %select_n3A_380 : vector<16xi32>
        tpu.vector_store_idx %arg10[%add3A_381], %broadcast_in_dim3A_35 {add = true} : memref<43008xi32, #tpu.memory_space<vmem>>[vector<16xi32>], vector<16xi32>,
        %mul3A_382 = arith.mulf %exp3A_178, %div3A_256 : vector<16xf32>
        %min3A_383 = arith.constant 1.023500e+03 : f32
        %min3A_384 = vector.broadcast %min3A_383 : f32 to vector<16xf32>
        %min3A_385 = arith.minimumf %mul3A_382, %min3A_384 : vector<16xf32>
        %convert_element_type3A_386 = arith.fptosi %min3A_385 : vector<16xf32> to vector<16xi32>
        %eq3A_387 = arith.constant 9 : i32
        %eq3A_388 = vector.broadcast %eq3A_387 : i32 to vector<16xi32>
        %eq3A_389 = arith.cmpi eq, %get3A_129, %eq3A_388 : vector<16xi32>
        %jit3A_390 = arith.constant 30720 : i32
        %jit3A_391 = arith.constant 9216 : i32
        %broadcast_in_dim3A_392 = vector.broadcast %jit3A_390 : i32 to vector<16xi32>
        %broadcast_in_dim3A_393 = vector.broadcast %jit3A_391 : i32 to vector<16xi32>
        %select_n3A_394 = arith.select %eq3A_389, %broadcast_in_dim3A_392, %broadcast_in_dim3A_393 : vector<16xi1>, vector<16xi32>
        %add3A_395 = arith.addi %convert_element_type3A_386, %select_n3A_394 : vector<16xi32>
        tpu.vector_store_idx %arg10[%add3A_395], %broadcast_in_dim3A_35 {add = true} : memref<43008xi32, #tpu.memory_space<vmem>>[vector<16xi32>], vector<16xi32>,
        %mul3A_396 = arith.mulf %exp3A_183, %div3A_256 : vector<16xf32>
        %min3A_397 = arith.constant 1.023500e+03 : f32
        %min3A_398 = vector.broadcast %min3A_397 : f32 to vector<16xf32>
        %min3A_399 = arith.minimumf %mul3A_396, %min3A_398 : vector<16xf32>
        %convert_element_type3A_400 = arith.fptosi %min3A_399 : vector<16xf32> to vector<16xi32>
        %eq3A_401 = arith.constant 10 : i32
        %eq3A_402 = vector.broadcast %eq3A_401 : i32 to vector<16xi32>
        %eq3A_403 = arith.cmpi eq, %get3A_129, %eq3A_402 : vector<16xi32>
        %jit3A_404 = arith.constant 31744 : i32
        %jit3A_405 = arith.constant 10240 : i32
        %broadcast_in_dim3A_406 = vector.broadcast %jit3A_404 : i32 to vector<16xi32>
        %broadcast_in_dim3A_407 = vector.broadcast %jit3A_405 : i32 to vector<16xi32>
        %select_n3A_408 = arith.select %eq3A_403, %broadcast_in_dim3A_406, %broadcast_in_dim3A_407 : vector<16xi1>, vector<16xi32>
        %add3A_409 = arith.addi %convert_element_type3A_400, %select_n3A_408 : vector<16xi32>
        tpu.vector_store_idx %arg10[%add3A_409], %broadcast_in_dim3A_35 {add = true} : memref<43008xi32, #tpu.memory_space<vmem>>[vector<16xi32>], vector<16xi32>,
        %mul3A_410 = arith.mulf %exp3A_188, %div3A_256 : vector<16xf32>
        %min3A_411 = arith.constant 1.023500e+03 : f32
        %min3A_412 = vector.broadcast %min3A_411 : f32 to vector<16xf32>
        %min3A_413 = arith.minimumf %mul3A_410, %min3A_412 : vector<16xf32>
        %convert_element_type3A_414 = arith.fptosi %min3A_413 : vector<16xf32> to vector<16xi32>
        %eq3A_415 = arith.constant 11 : i32
        %eq3A_416 = vector.broadcast %eq3A_415 : i32 to vector<16xi32>
        %eq3A_417 = arith.cmpi eq, %get3A_129, %eq3A_416 : vector<16xi32>
        %jit3A_418 = arith.constant 32768 : i32
        %jit3A_419 = arith.constant 11264 : i32
        %broadcast_in_dim3A_420 = vector.broadcast %jit3A_418 : i32 to vector<16xi32>
        %broadcast_in_dim3A_421 = vector.broadcast %jit3A_419 : i32 to vector<16xi32>
        %select_n3A_422 = arith.select %eq3A_417, %broadcast_in_dim3A_420, %broadcast_in_dim3A_421 : vector<16xi1>, vector<16xi32>
        %add3A_423 = arith.addi %convert_element_type3A_414, %select_n3A_422 : vector<16xi32>
        tpu.vector_store_idx %arg10[%add3A_423], %broadcast_in_dim3A_35 {add = true} : memref<43008xi32, #tpu.memory_space<vmem>>[vector<16xi32>], vector<16xi32>,
        %mul3A_424 = arith.mulf %exp3A_193, %div3A_256 : vector<16xf32>
        %min3A_425 = arith.constant 1.023500e+03 : f32
        %min3A_426 = vector.broadcast %min3A_425 : f32 to vector<16xf32>
        %min3A_427 = arith.minimumf %mul3A_424, %min3A_426 : vector<16xf32>
        %convert_element_type3A_428 = arith.fptosi %min3A_427 : vector<16xf32> to vector<16xi32>
        %eq3A_429 = arith.constant 12 : i32
        %eq3A_430 = vector.broadcast %eq3A_429 : i32 to vector<16xi32>
        %eq3A_431 = arith.cmpi eq, %get3A_129, %eq3A_430 : vector<16xi32>
        %jit3A_432 = arith.constant 33792 : i32
        %jit3A_433 = arith.constant 12288 : i32
        %broadcast_in_dim3A_434 = vector.broadcast %jit3A_432 : i32 to vector<16xi32>
        %broadcast_in_dim3A_435 = vector.broadcast %jit3A_433 : i32 to vector<16xi32>
        %select_n3A_436 = arith.select %eq3A_431, %broadcast_in_dim3A_434, %broadcast_in_dim3A_435 : vector<16xi1>, vector<16xi32>
        %add3A_437 = arith.addi %convert_element_type3A_428, %select_n3A_436 : vector<16xi32>
        tpu.vector_store_idx %arg10[%add3A_437], %broadcast_in_dim3A_35 {add = true} : memref<43008xi32, #tpu.memory_space<vmem>>[vector<16xi32>], vector<16xi32>,
        %mul3A_438 = arith.mulf %exp3A_198, %div3A_256 : vector<16xf32>
        %min3A_439 = arith.constant 1.023500e+03 : f32
        %min3A_440 = vector.broadcast %min3A_439 : f32 to vector<16xf32>
        %min3A_441 = arith.minimumf %mul3A_438, %min3A_440 : vector<16xf32>
        %convert_element_type3A_442 = arith.fptosi %min3A_441 : vector<16xf32> to vector<16xi32>
        %eq3A_443 = arith.constant 13 : i32
        %eq3A_444 = vector.broadcast %eq3A_443 : i32 to vector<16xi32>
        %eq3A_445 = arith.cmpi eq, %get3A_129, %eq3A_444 : vector<16xi32>
        %jit3A_446 = arith.constant 34816 : i32
        %jit3A_447 = arith.constant 13312 : i32
        %broadcast_in_dim3A_448 = vector.broadcast %jit3A_446 : i32 to vector<16xi32>
        %broadcast_in_dim3A_449 = vector.broadcast %jit3A_447 : i32 to vector<16xi32>
        %select_n3A_450 = arith.select %eq3A_445, %broadcast_in_dim3A_448, %broadcast_in_dim3A_449 : vector<16xi1>, vector<16xi32>
        %add3A_451 = arith.addi %convert_element_type3A_442, %select_n3A_450 : vector<16xi32>
        tpu.vector_store_idx %arg10[%add3A_451], %broadcast_in_dim3A_35 {add = true} : memref<43008xi32, #tpu.memory_space<vmem>>[vector<16xi32>], vector<16xi32>,
        %mul3A_452 = arith.mulf %exp3A_203, %div3A_256 : vector<16xf32>
        %min3A_453 = arith.constant 1.023500e+03 : f32
        %min3A_454 = vector.broadcast %min3A_453 : f32 to vector<16xf32>
        %min3A_455 = arith.minimumf %mul3A_452, %min3A_454 : vector<16xf32>
        %convert_element_type3A_456 = arith.fptosi %min3A_455 : vector<16xf32> to vector<16xi32>
        %eq3A_457 = arith.constant 14 : i32
        %eq3A_458 = vector.broadcast %eq3A_457 : i32 to vector<16xi32>
        %eq3A_459 = arith.cmpi eq, %get3A_129, %eq3A_458 : vector<16xi32>
        %jit3A_460 = arith.constant 35840 : i32
        %jit3A_461 = arith.constant 14336 : i32
        %broadcast_in_dim3A_462 = vector.broadcast %jit3A_460 : i32 to vector<16xi32>
        %broadcast_in_dim3A_463 = vector.broadcast %jit3A_461 : i32 to vector<16xi32>
        %select_n3A_464 = arith.select %eq3A_459, %broadcast_in_dim3A_462, %broadcast_in_dim3A_463 : vector<16xi1>, vector<16xi32>
        %add3A_465 = arith.addi %convert_element_type3A_456, %select_n3A_464 : vector<16xi32>
        tpu.vector_store_idx %arg10[%add3A_465], %broadcast_in_dim3A_35 {add = true} : memref<43008xi32, #tpu.memory_space<vmem>>[vector<16xi32>], vector<16xi32>,
        %mul3A_466 = arith.mulf %exp3A_208, %div3A_256 : vector<16xf32>
        %min3A_467 = arith.constant 1.023500e+03 : f32
        %min3A_468 = vector.broadcast %min3A_467 : f32 to vector<16xf32>
        %min3A_469 = arith.minimumf %mul3A_466, %min3A_468 : vector<16xf32>
        %convert_element_type3A_470 = arith.fptosi %min3A_469 : vector<16xf32> to vector<16xi32>
        %eq3A_471 = arith.constant 15 : i32
        %eq3A_472 = vector.broadcast %eq3A_471 : i32 to vector<16xi32>
        %eq3A_473 = arith.cmpi eq, %get3A_129, %eq3A_472 : vector<16xi32>
        %jit3A_474 = arith.constant 36864 : i32
        %jit3A_475 = arith.constant 15360 : i32
        %broadcast_in_dim3A_476 = vector.broadcast %jit3A_474 : i32 to vector<16xi32>
        %broadcast_in_dim3A_477 = vector.broadcast %jit3A_475 : i32 to vector<16xi32>
        %select_n3A_478 = arith.select %eq3A_473, %broadcast_in_dim3A_476, %broadcast_in_dim3A_477 : vector<16xi1>, vector<16xi32>
        %add3A_479 = arith.addi %convert_element_type3A_470, %select_n3A_478 : vector<16xi32>
        tpu.vector_store_idx %arg10[%add3A_479], %broadcast_in_dim3A_35 {add = true} : memref<43008xi32, #tpu.memory_space<vmem>>[vector<16xi32>], vector<16xi32>,
        %mul3A_480 = arith.mulf %exp3A_213, %div3A_256 : vector<16xf32>
        %min3A_481 = arith.constant 1.023500e+03 : f32
        %min3A_482 = vector.broadcast %min3A_481 : f32 to vector<16xf32>
        %min3A_483 = arith.minimumf %mul3A_480, %min3A_482 : vector<16xf32>
        %convert_element_type3A_484 = arith.fptosi %min3A_483 : vector<16xf32> to vector<16xi32>
        %eq3A_485 = arith.constant 16 : i32
        %eq3A_486 = vector.broadcast %eq3A_485 : i32 to vector<16xi32>
        %eq3A_487 = arith.cmpi eq, %get3A_129, %eq3A_486 : vector<16xi32>
        %jit3A_488 = arith.constant 37888 : i32
        %jit3A_489 = arith.constant 16384 : i32
        %broadcast_in_dim3A_490 = vector.broadcast %jit3A_488 : i32 to vector<16xi32>
        %broadcast_in_dim3A_491 = vector.broadcast %jit3A_489 : i32 to vector<16xi32>
        %select_n3A_492 = arith.select %eq3A_487, %broadcast_in_dim3A_490, %broadcast_in_dim3A_491 : vector<16xi1>, vector<16xi32>
        %add3A_493 = arith.addi %convert_element_type3A_484, %select_n3A_492 : vector<16xi32>
        tpu.vector_store_idx %arg10[%add3A_493], %broadcast_in_dim3A_35 {add = true} : memref<43008xi32, #tpu.memory_space<vmem>>[vector<16xi32>], vector<16xi32>,
        %mul3A_494 = arith.mulf %exp3A_218, %div3A_256 : vector<16xf32>
        %min3A_495 = arith.constant 1.023500e+03 : f32
        %min3A_496 = vector.broadcast %min3A_495 : f32 to vector<16xf32>
        %min3A_497 = arith.minimumf %mul3A_494, %min3A_496 : vector<16xf32>
        %convert_element_type3A_498 = arith.fptosi %min3A_497 : vector<16xf32> to vector<16xi32>
        %eq3A_499 = arith.constant 17 : i32
        %eq3A_500 = vector.broadcast %eq3A_499 : i32 to vector<16xi32>
        %eq3A_501 = arith.cmpi eq, %get3A_129, %eq3A_500 : vector<16xi32>
        %jit3A_502 = arith.constant 38912 : i32
        %jit3A_503 = arith.constant 17408 : i32
        %broadcast_in_dim3A_504 = vector.broadcast %jit3A_502 : i32 to vector<16xi32>
        %broadcast_in_dim3A_505 = vector.broadcast %jit3A_503 : i32 to vector<16xi32>
        %select_n3A_506 = arith.select %eq3A_501, %broadcast_in_dim3A_504, %broadcast_in_dim3A_505 : vector<16xi1>, vector<16xi32>
        %add3A_507 = arith.addi %convert_element_type3A_498, %select_n3A_506 : vector<16xi32>
        tpu.vector_store_idx %arg10[%add3A_507], %broadcast_in_dim3A_35 {add = true} : memref<43008xi32, #tpu.memory_space<vmem>>[vector<16xi32>], vector<16xi32>,
        %mul3A_508 = arith.mulf %exp3A_223, %div3A_256 : vector<16xf32>
        %min3A_509 = arith.constant 1.023500e+03 : f32
        %min3A_510 = vector.broadcast %min3A_509 : f32 to vector<16xf32>
        %min3A_511 = arith.minimumf %mul3A_508, %min3A_510 : vector<16xf32>
        %convert_element_type3A_512 = arith.fptosi %min3A_511 : vector<16xf32> to vector<16xi32>
        %eq3A_513 = arith.constant 18 : i32
        %eq3A_514 = vector.broadcast %eq3A_513 : i32 to vector<16xi32>
        %eq3A_515 = arith.cmpi eq, %get3A_129, %eq3A_514 : vector<16xi32>
        %jit3A_516 = arith.constant 39936 : i32
        %jit3A_517 = arith.constant 18432 : i32
        %broadcast_in_dim3A_518 = vector.broadcast %jit3A_516 : i32 to vector<16xi32>
        %broadcast_in_dim3A_519 = vector.broadcast %jit3A_517 : i32 to vector<16xi32>
        %select_n3A_520 = arith.select %eq3A_515, %broadcast_in_dim3A_518, %broadcast_in_dim3A_519 : vector<16xi1>, vector<16xi32>
        %add3A_521 = arith.addi %convert_element_type3A_512, %select_n3A_520 : vector<16xi32>
        tpu.vector_store_idx %arg10[%add3A_521], %broadcast_in_dim3A_35 {add = true} : memref<43008xi32, #tpu.memory_space<vmem>>[vector<16xi32>], vector<16xi32>,
        %mul3A_522 = arith.mulf %exp3A_228, %div3A_256 : vector<16xf32>
        %min3A_523 = arith.constant 1.023500e+03 : f32
        %min3A_524 = vector.broadcast %min3A_523 : f32 to vector<16xf32>
        %min3A_525 = arith.minimumf %mul3A_522, %min3A_524 : vector<16xf32>
        %convert_element_type3A_526 = arith.fptosi %min3A_525 : vector<16xf32> to vector<16xi32>
        %eq3A_527 = arith.constant 19 : i32
        %eq3A_528 = vector.broadcast %eq3A_527 : i32 to vector<16xi32>
        %eq3A_529 = arith.cmpi eq, %get3A_129, %eq3A_528 : vector<16xi32>
        %jit3A_530 = arith.constant 40960 : i32
        %jit3A_531 = arith.constant 19456 : i32
        %broadcast_in_dim3A_532 = vector.broadcast %jit3A_530 : i32 to vector<16xi32>
        %broadcast_in_dim3A_533 = vector.broadcast %jit3A_531 : i32 to vector<16xi32>
        %select_n3A_534 = arith.select %eq3A_529, %broadcast_in_dim3A_532, %broadcast_in_dim3A_533 : vector<16xi1>, vector<16xi32>
        %add3A_535 = arith.addi %convert_element_type3A_526, %select_n3A_534 : vector<16xi32>
        tpu.vector_store_idx %arg10[%add3A_535], %broadcast_in_dim3A_35 {add = true} : memref<43008xi32, #tpu.memory_space<vmem>>[vector<16xi32>], vector<16xi32>,
        %mul3A_536 = arith.mulf %exp3A_233, %div3A_256 : vector<16xf32>
        %min3A_537 = arith.constant 1.023500e+03 : f32
        %min3A_538 = vector.broadcast %min3A_537 : f32 to vector<16xf32>
        %min3A_539 = arith.minimumf %mul3A_536, %min3A_538 : vector<16xf32>
        %convert_element_type3A_540 = arith.fptosi %min3A_539 : vector<16xf32> to vector<16xi32>
        %eq3A_541 = arith.constant 20 : i32
        %eq3A_542 = vector.broadcast %eq3A_541 : i32 to vector<16xi32>
        %eq3A_543 = arith.cmpi eq, %get3A_129, %eq3A_542 : vector<16xi32>
        %jit3A_544 = arith.constant 41984 : i32
        %jit3A_545 = arith.constant 20480 : i32
        %broadcast_in_dim3A_546 = vector.broadcast %jit3A_544 : i32 to vector<16xi32>
        %broadcast_in_dim3A_547 = vector.broadcast %jit3A_545 : i32 to vector<16xi32>
        %select_n3A_548 = arith.select %eq3A_543, %broadcast_in_dim3A_546, %broadcast_in_dim3A_547 : vector<16xi1>, vector<16xi32>
        %add3A_549 = arith.addi %convert_element_type3A_540, %select_n3A_548 : vector<16xi32>
        tpu.vector_store_idx %arg10[%add3A_549], %broadcast_in_dim3A_35 {add = true} : memref<43008xi32, #tpu.memory_space<vmem>>[vector<16xi32>], vector<16xi32>,
      }
      %scan3A_98 = arith.constant 32 : i32
      %add3A_99 = arith.constant 2 : i32
      %add3A_100 = arith.addi %mul3A_62, %add3A_99 : i32
      %lt3A_101 = arith.constant 64 : i32
      %lt3A_102 = arith.cmpi slt, %add3A_100, %lt3A_101 : i32
      %convert_element_type3A = arith.extui %lt3A_102 : i1 to i32
      %cond3A = arith.constant 0 : i32
      %cond3A_103 = arith.cmpi ne, %convert_element_type3A, %cond3A : i32
      scf.if %cond3A_103 {
        %add3A_126 = arith.constant 2 : i32
        %add3A_127 = arith.addi %mul3A_62, %add3A_126 : i32
        %add3A_128 = arith.addi %mul3A_32, %add3A_127 : i32
        %dma_start3A_129 = arith.constant 0 : i32
        %dma_start3A_130 = arith.constant 0 : i32
        %dma_start3A_131 = tpu.memref_slice %arg2[%select_n3A, %dma_start3A_129, %add3A_128, %dma_start3A_130] : memref<4x21x512x512xf32, #tpu.memory_space<hbm>> -> memref<1x21x1x512xf32, #tpu.memory_space<hbm>>
        %dma_start3A_132 = tpu.memref_squeeze %dma_start3A_131 : memref<1x21x1x512xf32, #tpu.memory_space<hbm>> -> memref<21x512xf32, #tpu.memory_space<hbm>>
        %dma_start3A_133 = arith.constant 0 : i32
        %dma_start3A_134 = arith.constant 0 : i32
        %dma_start3A_135 = tpu.memref_slice %arg2[%select_n3A, %dma_start3A_133, %add3A_128, %dma_start3A_134] : memref<4x21x512x512xf32, #tpu.memory_space<hbm>> -> memref<1x21x1x512xf32, #tpu.memory_space<hbm>>
        %dma_start3A_136 = tpu.memref_squeeze %dma_start3A_135 : memref<1x21x1x512xf32, #tpu.memory_space<hbm>> -> memref<21x512xf32, #tpu.memory_space<hbm>>
        tpu.enqueue_dma source(%dma_start3A_136 : memref<21x512xf32, #tpu.memory_space<hbm>>) target(%arg5 : memref<21x512xf32, #tpu.memory_space<vmem>>) target_semaphore(%arg11 : memref<!tpu.dma_semaphore, #tpu.memory_space<semaphore_mem>>)
        %dma_start3A_137 = arith.constant 0 : i32
        %dma_start3A_138 = tpu.memref_slice %arg3[%select_n3A, %add3A_128, %dma_start3A_137] : memref<4x512x512xi32, #tpu.memory_space<hbm>> -> memref<1x1x512xi32, #tpu.memory_space<hbm>>
        %dma_start3A_139 = tpu.memref_squeeze %dma_start3A_138 : memref<1x1x512xi32, #tpu.memory_space<hbm>> -> memref<512xi32, #tpu.memory_space<hbm>>
        %dma_start3A_140 = arith.constant 0 : i32
        %dma_start3A_141 = tpu.memref_slice %arg3[%select_n3A, %add3A_128, %dma_start3A_140] : memref<4x512x512xi32, #tpu.memory_space<hbm>> -> memref<1x1x512xi32, #tpu.memory_space<hbm>>
        %dma_start3A_142 = tpu.memref_squeeze %dma_start3A_141 : memref<1x1x512xi32, #tpu.memory_space<hbm>> -> memref<512xi32, #tpu.memory_space<hbm>>
        tpu.enqueue_dma source(%dma_start3A_142 : memref<512xi32, #tpu.memory_space<hbm>>) target(%arg6 : memref<512xi32, #tpu.memory_space<vmem>>) target_semaphore(%arg11 : memref<!tpu.dma_semaphore, #tpu.memory_space<semaphore_mem>>)
      } else {
      }
      %add3A_104 = arith.constant 1 : i32
      %add3A_105 = arith.addi %mul3A_62, %add3A_104 : i32
      %add3A_106 = arith.addi %mul3A_32, %add3A_105 : i32
      %dma_wait3A_107 = arith.constant 0 : i32
      %dma_wait3A_108 = arith.constant 0 : i32
      %dma_wait3A_109 = tpu.memref_slice %arg2[%select_n3A, %dma_wait3A_107, %add3A_106, %dma_wait3A_108] : memref<4x21x512x512xf32, #tpu.memory_space<hbm>> -> memref<1x21x1x512xf32, #tpu.memory_space<hbm>>
      %dma_wait3A_110 = tpu.memref_squeeze %dma_wait3A_109 : memref<1x21x1x512xf32, #tpu.memory_space<hbm>> -> memref<21x512xf32, #tpu.memory_space<hbm>>
      %dma_wait3A_111 = arith.constant 0 : i32
      %dma_wait3A_112 = arith.constant 0 : i32
      %dma_wait3A_113 = tpu.memref_slice %arg2[%select_n3A, %dma_wait3A_111, %add3A_106, %dma_wait3A_112] : memref<4x21x512x512xf32, #tpu.memory_space<hbm>> -> memref<1x21x1x512xf32, #tpu.memory_space<hbm>>
      %dma_wait3A_114 = tpu.memref_squeeze %dma_wait3A_113 : memref<1x21x1x512xf32, #tpu.memory_space<hbm>> -> memref<21x512xf32, #tpu.memory_space<hbm>>
      tpu.wait_dma2 semaphore(%arg12 : memref<!tpu.dma_semaphore, #tpu.memory_space<semaphore_mem>>) src(%dma_wait3A_114 : memref<21x512xf32, #tpu.memory_space<hbm>>) dst(%arg7 : memref<21x512xf32, #tpu.memory_space<vmem>>)
      %dma_wait3A_115 = arith.constant 0 : i32
      %dma_wait3A_116 = tpu.memref_slice %arg3[%select_n3A, %add3A_106, %dma_wait3A_115] : memref<4x512x512xi32, #tpu.memory_space<hbm>> -> memref<1x1x512xi32, #tpu.memory_space<hbm>>
      %dma_wait3A_117 = tpu.memref_squeeze %dma_wait3A_116 : memref<1x1x512xi32, #tpu.memory_space<hbm>> -> memref<512xi32, #tpu.memory_space<hbm>>
      %dma_wait3A_118 = arith.constant 0 : i32
      %dma_wait3A_119 = tpu.memref_slice %arg3[%select_n3A, %add3A_106, %dma_wait3A_118] : memref<4x512x512xi32, #tpu.memory_space<hbm>> -> memref<1x1x512xi32, #tpu.memory_space<hbm>>
      %dma_wait3A_120 = tpu.memref_squeeze %dma_wait3A_119 : memref<1x1x512xi32, #tpu.memory_space<hbm>> -> memref<512xi32, #tpu.memory_space<hbm>>
      tpu.wait_dma2 semaphore(%arg12 : memref<!tpu.dma_semaphore, #tpu.memory_space<semaphore_mem>>) src(%dma_wait3A_120 : memref<512xi32, #tpu.memory_space<hbm>>) dst(%arg8 : memref<512xi32, #tpu.memory_space<vmem>>)
      %scan3A_121 = arith.constant 0 : i32
      %scan3A_122 = arith.constant 32 : i32
      %scan3A_123 = arith.addi %scan3A_121, %scan3A_122 : i32
      %scan3A_124 = arith.constant 1 : i32
      scf.for %scan3A_126 = %scan3A_121 to %scan3A_123 step %scan3A_124  : i32 {
        %mul3A_127 = arith.constant 16 : i32
        %mul3A_128 = arith.muli %scan3A_126, %mul3A_127 : i32
        %get3A = arith.index_cast %mul3A_128 : i32 to index
        %get3A_129 = tpu.vector_load %arg8[%get3A] {strides = array<i32>} : memref<512xi32, #tpu.memory_space<vmem>>, vector<16xi32>,
        %get3A_130 = arith.constant 0 : i32
        %get3A_131 = arith.index_cast %get3A_130 : i32 to index
        %get3A_132 = arith.index_cast %mul3A_128 : i32 to index
        %get3A_133 = tpu.vector_load %arg7[%get3A_131, %get3A_132] {strides = array<i32>} : memref<21x512xf32, #tpu.memory_space<vmem>>, vector<16xf32>,
        %exp3A = math.exp %get3A_133 : vector<16xf32>
        %get3A_134 = arith.constant 1 : i32
        %get3A_135 = arith.index_cast %get3A_134 : i32 to index
        %get3A_136 = arith.index_cast %mul3A_128 : i32 to index
        %get3A_137 = tpu.vector_load %arg7[%get3A_135, %get3A_136] {strides = array<i32>} : memref<21x512xf32, #tpu.memory_space<vmem>>, vector<16xf32>,
        %exp3A_138 = math.exp %get3A_137 : vector<16xf32>
        %get3A_139 = arith.constant 2 : i32
        %get3A_140 = arith.index_cast %get3A_139 : i32 to index
        %get3A_141 = arith.index_cast %mul3A_128 : i32 to index
        %get3A_142 = tpu.vector_load %arg7[%get3A_140, %get3A_141] {strides = array<i32>} : memref<21x512xf32, #tpu.memory_space<vmem>>, vector<16xf32>,
        %exp3A_143 = math.exp %get3A_142 : vector<16xf32>
        %get3A_144 = arith.constant 3 : i32
        %get3A_145 = arith.index_cast %get3A_144 : i32 to index
        %get3A_146 = arith.index_cast %mul3A_128 : i32 to index
        %get3A_147 = tpu.vector_load %arg7[%get3A_145, %get3A_146] {strides = array<i32>} : memref<21x512xf32, #tpu.memory_space<vmem>>, vector<16xf32>,
        %exp3A_148 = math.exp %get3A_147 : vector<16xf32>
        %get3A_149 = arith.constant 4 : i32
        %get3A_150 = arith.index_cast %get3A_149 : i32 to index
        %get3A_151 = arith.index_cast %mul3A_128 : i32 to index
        %get3A_152 = tpu.vector_load %arg7[%get3A_150, %get3A_151] {strides = array<i32>} : memref<21x512xf32, #tpu.memory_space<vmem>>, vector<16xf32>,
        %exp3A_153 = math.exp %get3A_152 : vector<16xf32>
        %get3A_154 = arith.constant 5 : i32
        %get3A_155 = arith.index_cast %get3A_154 : i32 to index
        %get3A_156 = arith.index_cast %mul3A_128 : i32 to index
        %get3A_157 = tpu.vector_load %arg7[%get3A_155, %get3A_156] {strides = array<i32>} : memref<21x512xf32, #tpu.memory_space<vmem>>, vector<16xf32>,
        %exp3A_158 = math.exp %get3A_157 : vector<16xf32>
        %get3A_159 = arith.constant 6 : i32
        %get3A_160 = arith.index_cast %get3A_159 : i32 to index
        %get3A_161 = arith.index_cast %mul3A_128 : i32 to index
        %get3A_162 = tpu.vector_load %arg7[%get3A_160, %get3A_161] {strides = array<i32>} : memref<21x512xf32, #tpu.memory_space<vmem>>, vector<16xf32>,
        %exp3A_163 = math.exp %get3A_162 : vector<16xf32>
        %get3A_164 = arith.constant 7 : i32
        %get3A_165 = arith.index_cast %get3A_164 : i32 to index
        %get3A_166 = arith.index_cast %mul3A_128 : i32 to index
        %get3A_167 = tpu.vector_load %arg7[%get3A_165, %get3A_166] {strides = array<i32>} : memref<21x512xf32, #tpu.memory_space<vmem>>, vector<16xf32>,
        %exp3A_168 = math.exp %get3A_167 : vector<16xf32>
        %get3A_169 = arith.constant 8 : i32
        %get3A_170 = arith.index_cast %get3A_169 : i32 to index
        %get3A_171 = arith.index_cast %mul3A_128 : i32 to index
        %get3A_172 = tpu.vector_load %arg7[%get3A_170, %get3A_171] {strides = array<i32>} : memref<21x512xf32, #tpu.memory_space<vmem>>, vector<16xf32>,
        %exp3A_173 = math.exp %get3A_172 : vector<16xf32>
        %get3A_174 = arith.constant 9 : i32
        %get3A_175 = arith.index_cast %get3A_174 : i32 to index
        %get3A_176 = arith.index_cast %mul3A_128 : i32 to index
        %get3A_177 = tpu.vector_load %arg7[%get3A_175, %get3A_176] {strides = array<i32>} : memref<21x512xf32, #tpu.memory_space<vmem>>, vector<16xf32>,
        %exp3A_178 = math.exp %get3A_177 : vector<16xf32>
        %get3A_179 = arith.constant 10 : i32
        %get3A_180 = arith.index_cast %get3A_179 : i32 to index
        %get3A_181 = arith.index_cast %mul3A_128 : i32 to index
        %get3A_182 = tpu.vector_load %arg7[%get3A_180, %get3A_181] {strides = array<i32>} : memref<21x512xf32, #tpu.memory_space<vmem>>, vector<16xf32>,
        %exp3A_183 = math.exp %get3A_182 : vector<16xf32>
        %get3A_184 = arith.constant 11 : i32
        %get3A_185 = arith.index_cast %get3A_184 : i32 to index
        %get3A_186 = arith.index_cast %mul3A_128 : i32 to index
        %get3A_187 = tpu.vector_load %arg7[%get3A_185, %get3A_186] {strides = array<i32>} : memref<21x512xf32, #tpu.memory_space<vmem>>, vector<16xf32>,
        %exp3A_188 = math.exp %get3A_187 : vector<16xf32>
        %get3A_189 = arith.constant 12 : i32
        %get3A_190 = arith.index_cast %get3A_189 : i32 to index
        %get3A_191 = arith.index_cast %mul3A_128 : i32 to index
        %get3A_192 = tpu.vector_load %arg7[%get3A_190, %get3A_191] {strides = array<i32>} : memref<21x512xf32, #tpu.memory_space<vmem>>, vector<16xf32>,
        %exp3A_193 = math.exp %get3A_192 : vector<16xf32>
        %get3A_194 = arith.constant 13 : i32
        %get3A_195 = arith.index_cast %get3A_194 : i32 to index
        %get3A_196 = arith.index_cast %mul3A_128 : i32 to index
        %get3A_197 = tpu.vector_load %arg7[%get3A_195, %get3A_196] {strides = array<i32>} : memref<21x512xf32, #tpu.memory_space<vmem>>, vector<16xf32>,
        %exp3A_198 = math.exp %get3A_197 : vector<16xf32>
        %get3A_199 = arith.constant 14 : i32
        %get3A_200 = arith.index_cast %get3A_199 : i32 to index
        %get3A_201 = arith.index_cast %mul3A_128 : i32 to index
        %get3A_202 = tpu.vector_load %arg7[%get3A_200, %get3A_201] {strides = array<i32>} : memref<21x512xf32, #tpu.memory_space<vmem>>, vector<16xf32>,
        %exp3A_203 = math.exp %get3A_202 : vector<16xf32>
        %get3A_204 = arith.constant 15 : i32
        %get3A_205 = arith.index_cast %get3A_204 : i32 to index
        %get3A_206 = arith.index_cast %mul3A_128 : i32 to index
        %get3A_207 = tpu.vector_load %arg7[%get3A_205, %get3A_206] {strides = array<i32>} : memref<21x512xf32, #tpu.memory_space<vmem>>, vector<16xf32>,
        %exp3A_208 = math.exp %get3A_207 : vector<16xf32>
        %get3A_209 = arith.constant 16 : i32
        %get3A_210 = arith.index_cast %get3A_209 : i32 to index
        %get3A_211 = arith.index_cast %mul3A_128 : i32 to index
        %get3A_212 = tpu.vector_load %arg7[%get3A_210, %get3A_211] {strides = array<i32>} : memref<21x512xf32, #tpu.memory_space<vmem>>, vector<16xf32>,
        %exp3A_213 = math.exp %get3A_212 : vector<16xf32>
        %get3A_214 = arith.constant 17 : i32
        %get3A_215 = arith.index_cast %get3A_214 : i32 to index
        %get3A_216 = arith.index_cast %mul3A_128 : i32 to index
        %get3A_217 = tpu.vector_load %arg7[%get3A_215, %get3A_216] {strides = array<i32>} : memref<21x512xf32, #tpu.memory_space<vmem>>, vector<16xf32>,
        %exp3A_218 = math.exp %get3A_217 : vector<16xf32>
        %get3A_219 = arith.constant 18 : i32
        %get3A_220 = arith.index_cast %get3A_219 : i32 to index
        %get3A_221 = arith.index_cast %mul3A_128 : i32 to index
        %get3A_222 = tpu.vector_load %arg7[%get3A_220, %get3A_221] {strides = array<i32>} : memref<21x512xf32, #tpu.memory_space<vmem>>, vector<16xf32>,
        %exp3A_223 = math.exp %get3A_222 : vector<16xf32>
        %get3A_224 = arith.constant 19 : i32
        %get3A_225 = arith.index_cast %get3A_224 : i32 to index
        %get3A_226 = arith.index_cast %mul3A_128 : i32 to index
        %get3A_227 = tpu.vector_load %arg7[%get3A_225, %get3A_226] {strides = array<i32>} : memref<21x512xf32, #tpu.memory_space<vmem>>, vector<16xf32>,
        %exp3A_228 = math.exp %get3A_227 : vector<16xf32>
        %get3A_229 = arith.constant 20 : i32
        %get3A_230 = arith.index_cast %get3A_229 : i32 to index
        %get3A_231 = arith.index_cast %mul3A_128 : i32 to index
        %get3A_232 = tpu.vector_load %arg7[%get3A_230, %get3A_231] {strides = array<i32>} : memref<21x512xf32, #tpu.memory_space<vmem>>, vector<16xf32>,
        %exp3A_233 = math.exp %get3A_232 : vector<16xf32>
        %add3A_234 = arith.addf %exp3A, %exp3A_138 : vector<16xf32>
        %add3A_235 = arith.addf %exp3A_143, %exp3A_148 : vector<16xf32>
        %add3A_236 = arith.addf %exp3A_153, %exp3A_158 : vector<16xf32>
        %add3A_237 = arith.addf %exp3A_163, %exp3A_168 : vector<16xf32>
        %add3A_238 = arith.addf %exp3A_173, %exp3A_178 : vector<16xf32>
        %add3A_239 = arith.addf %exp3A_183, %exp3A_188 : vector<16xf32>
        %add3A_240 = arith.addf %exp3A_193, %exp3A_198 : vector<16xf32>
        %add3A_241 = arith.addf %exp3A_203, %exp3A_208 : vector<16xf32>
        %add3A_242 = arith.addf %exp3A_213, %exp3A_218 : vector<16xf32>
        %add3A_243 = arith.addf %exp3A_223, %exp3A_228 : vector<16xf32>
        %add3A_244 = arith.addf %add3A_234, %add3A_235 : vector<16xf32>
        %add3A_245 = arith.addf %add3A_236, %add3A_237 : vector<16xf32>
        %add3A_246 = arith.addf %add3A_238, %add3A_239 : vector<16xf32>
        %add3A_247 = arith.addf %add3A_240, %add3A_241 : vector<16xf32>
        %add3A_248 = arith.addf %add3A_242, %add3A_243 : vector<16xf32>
        %add3A_249 = arith.addf %add3A_244, %add3A_245 : vector<16xf32>
        %add3A_250 = arith.addf %add3A_246, %add3A_247 : vector<16xf32>
        %add3A_251 = arith.addf %add3A_248, %exp3A_233 : vector<16xf32>
        %add3A_252 = arith.addf %add3A_249, %add3A_250 : vector<16xf32>
        %add3A_253 = arith.addf %add3A_252, %add3A_251 : vector<16xf32>
        %div3A_254 = arith.constant 1.024000e+03 : f32
        %div3A_255 = vector.broadcast %div3A_254 : f32 to vector<16xf32>
        %div3A_256 = arith.divf %div3A_255, %add3A_253 : vector<16xf32>
        %mul3A_257 = arith.mulf %exp3A, %div3A_256 : vector<16xf32>
        %min3A = arith.constant 1.023500e+03 : f32
        %min3A_258 = vector.broadcast %min3A : f32 to vector<16xf32>
        %min3A_259 = arith.minimumf %mul3A_257, %min3A_258 : vector<16xf32>
        %convert_element_type3A_260 = arith.fptosi %min3A_259 : vector<16xf32> to vector<16xi32>
        %eq3A_261 = arith.constant 0 : i32
        %eq3A_262 = vector.broadcast %eq3A_261 : i32 to vector<16xi32>
        %eq3A_263 = arith.cmpi eq, %get3A_129, %eq3A_262 : vector<16xi32>
        %jit3A_264 = arith.constant 21504 : i32
        %jit3A_265 = arith.constant 0 : i32
        %broadcast_in_dim3A_266 = vector.broadcast %jit3A_264 : i32 to vector<16xi32>
        %broadcast_in_dim3A_267 = vector.broadcast %jit3A_265 : i32 to vector<16xi32>
        %select_n3A_268 = arith.select %eq3A_263, %broadcast_in_dim3A_266, %broadcast_in_dim3A_267 : vector<16xi1>, vector<16xi32>
        %add3A_269 = arith.addi %convert_element_type3A_260, %select_n3A_268 : vector<16xi32>
        tpu.vector_store_idx %arg10[%add3A_269], %broadcast_in_dim3A_35 {add = true} : memref<43008xi32, #tpu.memory_space<vmem>>[vector<16xi32>], vector<16xi32>,
        %mul3A_270 = arith.mulf %exp3A_138, %div3A_256 : vector<16xf32>
        %min3A_271 = arith.constant 1.023500e+03 : f32
        %min3A_272 = vector.broadcast %min3A_271 : f32 to vector<16xf32>
        %min3A_273 = arith.minimumf %mul3A_270, %min3A_272 : vector<16xf32>
        %convert_element_type3A_274 = arith.fptosi %min3A_273 : vector<16xf32> to vector<16xi32>
        %eq3A_275 = arith.constant 1 : i32
        %eq3A_276 = vector.broadcast %eq3A_275 : i32 to vector<16xi32>
        %eq3A_277 = arith.cmpi eq, %get3A_129, %eq3A_276 : vector<16xi32>
        %jit3A_278 = arith.constant 22528 : i32
        %jit3A_279 = arith.constant 1024 : i32
        %broadcast_in_dim3A_280 = vector.broadcast %jit3A_278 : i32 to vector<16xi32>
        %broadcast_in_dim3A_281 = vector.broadcast %jit3A_279 : i32 to vector<16xi32>
        %select_n3A_282 = arith.select %eq3A_277, %broadcast_in_dim3A_280, %broadcast_in_dim3A_281 : vector<16xi1>, vector<16xi32>
        %add3A_283 = arith.addi %convert_element_type3A_274, %select_n3A_282 : vector<16xi32>
        tpu.vector_store_idx %arg10[%add3A_283], %broadcast_in_dim3A_35 {add = true} : memref<43008xi32, #tpu.memory_space<vmem>>[vector<16xi32>], vector<16xi32>,
        %mul3A_284 = arith.mulf %exp3A_143, %div3A_256 : vector<16xf32>
        %min3A_285 = arith.constant 1.023500e+03 : f32
        %min3A_286 = vector.broadcast %min3A_285 : f32 to vector<16xf32>
        %min3A_287 = arith.minimumf %mul3A_284, %min3A_286 : vector<16xf32>
        %convert_element_type3A_288 = arith.fptosi %min3A_287 : vector<16xf32> to vector<16xi32>
        %eq3A_289 = arith.constant 2 : i32
        %eq3A_290 = vector.broadcast %eq3A_289 : i32 to vector<16xi32>
        %eq3A_291 = arith.cmpi eq, %get3A_129, %eq3A_290 : vector<16xi32>
        %jit3A_292 = arith.constant 23552 : i32
        %jit3A_293 = arith.constant 2048 : i32
        %broadcast_in_dim3A_294 = vector.broadcast %jit3A_292 : i32 to vector<16xi32>
        %broadcast_in_dim3A_295 = vector.broadcast %jit3A_293 : i32 to vector<16xi32>
        %select_n3A_296 = arith.select %eq3A_291, %broadcast_in_dim3A_294, %broadcast_in_dim3A_295 : vector<16xi1>, vector<16xi32>
        %add3A_297 = arith.addi %convert_element_type3A_288, %select_n3A_296 : vector<16xi32>
        tpu.vector_store_idx %arg10[%add3A_297], %broadcast_in_dim3A_35 {add = true} : memref<43008xi32, #tpu.memory_space<vmem>>[vector<16xi32>], vector<16xi32>,
        %mul3A_298 = arith.mulf %exp3A_148, %div3A_256 : vector<16xf32>
        %min3A_299 = arith.constant 1.023500e+03 : f32
        %min3A_300 = vector.broadcast %min3A_299 : f32 to vector<16xf32>
        %min3A_301 = arith.minimumf %mul3A_298, %min3A_300 : vector<16xf32>
        %convert_element_type3A_302 = arith.fptosi %min3A_301 : vector<16xf32> to vector<16xi32>
        %eq3A_303 = arith.constant 3 : i32
        %eq3A_304 = vector.broadcast %eq3A_303 : i32 to vector<16xi32>
        %eq3A_305 = arith.cmpi eq, %get3A_129, %eq3A_304 : vector<16xi32>
        %jit3A_306 = arith.constant 24576 : i32
        %jit3A_307 = arith.constant 3072 : i32
        %broadcast_in_dim3A_308 = vector.broadcast %jit3A_306 : i32 to vector<16xi32>
        %broadcast_in_dim3A_309 = vector.broadcast %jit3A_307 : i32 to vector<16xi32>
        %select_n3A_310 = arith.select %eq3A_305, %broadcast_in_dim3A_308, %broadcast_in_dim3A_309 : vector<16xi1>, vector<16xi32>
        %add3A_311 = arith.addi %convert_element_type3A_302, %select_n3A_310 : vector<16xi32>
        tpu.vector_store_idx %arg10[%add3A_311], %broadcast_in_dim3A_35 {add = true} : memref<43008xi32, #tpu.memory_space<vmem>>[vector<16xi32>], vector<16xi32>,
        %mul3A_312 = arith.mulf %exp3A_153, %div3A_256 : vector<16xf32>
        %min3A_313 = arith.constant 1.023500e+03 : f32
        %min3A_314 = vector.broadcast %min3A_313 : f32 to vector<16xf32>
        %min3A_315 = arith.minimumf %mul3A_312, %min3A_314 : vector<16xf32>
        %convert_element_type3A_316 = arith.fptosi %min3A_315 : vector<16xf32> to vector<16xi32>
        %eq3A_317 = arith.constant 4 : i32
        %eq3A_318 = vector.broadcast %eq3A_317 : i32 to vector<16xi32>
        %eq3A_319 = arith.cmpi eq, %get3A_129, %eq3A_318 : vector<16xi32>
        %jit3A_320 = arith.constant 25600 : i32
        %jit3A_321 = arith.constant 4096 : i32
        %broadcast_in_dim3A_322 = vector.broadcast %jit3A_320 : i32 to vector<16xi32>
        %broadcast_in_dim3A_323 = vector.broadcast %jit3A_321 : i32 to vector<16xi32>
        %select_n3A_324 = arith.select %eq3A_319, %broadcast_in_dim3A_322, %broadcast_in_dim3A_323 : vector<16xi1>, vector<16xi32>
        %add3A_325 = arith.addi %convert_element_type3A_316, %select_n3A_324 : vector<16xi32>
        tpu.vector_store_idx %arg10[%add3A_325], %broadcast_in_dim3A_35 {add = true} : memref<43008xi32, #tpu.memory_space<vmem>>[vector<16xi32>], vector<16xi32>,
        %mul3A_326 = arith.mulf %exp3A_158, %div3A_256 : vector<16xf32>
        %min3A_327 = arith.constant 1.023500e+03 : f32
        %min3A_328 = vector.broadcast %min3A_327 : f32 to vector<16xf32>
        %min3A_329 = arith.minimumf %mul3A_326, %min3A_328 : vector<16xf32>
        %convert_element_type3A_330 = arith.fptosi %min3A_329 : vector<16xf32> to vector<16xi32>
        %eq3A_331 = arith.constant 5 : i32
        %eq3A_332 = vector.broadcast %eq3A_331 : i32 to vector<16xi32>
        %eq3A_333 = arith.cmpi eq, %get3A_129, %eq3A_332 : vector<16xi32>
        %jit3A_334 = arith.constant 26624 : i32
        %jit3A_335 = arith.constant 5120 : i32
        %broadcast_in_dim3A_336 = vector.broadcast %jit3A_334 : i32 to vector<16xi32>
        %broadcast_in_dim3A_337 = vector.broadcast %jit3A_335 : i32 to vector<16xi32>
        %select_n3A_338 = arith.select %eq3A_333, %broadcast_in_dim3A_336, %broadcast_in_dim3A_337 : vector<16xi1>, vector<16xi32>
        %add3A_339 = arith.addi %convert_element_type3A_330, %select_n3A_338 : vector<16xi32>
        tpu.vector_store_idx %arg10[%add3A_339], %broadcast_in_dim3A_35 {add = true} : memref<43008xi32, #tpu.memory_space<vmem>>[vector<16xi32>], vector<16xi32>,
        %mul3A_340 = arith.mulf %exp3A_163, %div3A_256 : vector<16xf32>
        %min3A_341 = arith.constant 1.023500e+03 : f32
        %min3A_342 = vector.broadcast %min3A_341 : f32 to vector<16xf32>
        %min3A_343 = arith.minimumf %mul3A_340, %min3A_342 : vector<16xf32>
        %convert_element_type3A_344 = arith.fptosi %min3A_343 : vector<16xf32> to vector<16xi32>
        %eq3A_345 = arith.constant 6 : i32
        %eq3A_346 = vector.broadcast %eq3A_345 : i32 to vector<16xi32>
        %eq3A_347 = arith.cmpi eq, %get3A_129, %eq3A_346 : vector<16xi32>
        %jit3A_348 = arith.constant 27648 : i32
        %jit3A_349 = arith.constant 6144 : i32
        %broadcast_in_dim3A_350 = vector.broadcast %jit3A_348 : i32 to vector<16xi32>
        %broadcast_in_dim3A_351 = vector.broadcast %jit3A_349 : i32 to vector<16xi32>
        %select_n3A_352 = arith.select %eq3A_347, %broadcast_in_dim3A_350, %broadcast_in_dim3A_351 : vector<16xi1>, vector<16xi32>
        %add3A_353 = arith.addi %convert_element_type3A_344, %select_n3A_352 : vector<16xi32>
        tpu.vector_store_idx %arg10[%add3A_353], %broadcast_in_dim3A_35 {add = true} : memref<43008xi32, #tpu.memory_space<vmem>>[vector<16xi32>], vector<16xi32>,
        %mul3A_354 = arith.mulf %exp3A_168, %div3A_256 : vector<16xf32>
        %min3A_355 = arith.constant 1.023500e+03 : f32
        %min3A_356 = vector.broadcast %min3A_355 : f32 to vector<16xf32>
        %min3A_357 = arith.minimumf %mul3A_354, %min3A_356 : vector<16xf32>
        %convert_element_type3A_358 = arith.fptosi %min3A_357 : vector<16xf32> to vector<16xi32>
        %eq3A_359 = arith.constant 7 : i32
        %eq3A_360 = vector.broadcast %eq3A_359 : i32 to vector<16xi32>
        %eq3A_361 = arith.cmpi eq, %get3A_129, %eq3A_360 : vector<16xi32>
        %jit3A_362 = arith.constant 28672 : i32
        %jit3A_363 = arith.constant 7168 : i32
        %broadcast_in_dim3A_364 = vector.broadcast %jit3A_362 : i32 to vector<16xi32>
        %broadcast_in_dim3A_365 = vector.broadcast %jit3A_363 : i32 to vector<16xi32>
        %select_n3A_366 = arith.select %eq3A_361, %broadcast_in_dim3A_364, %broadcast_in_dim3A_365 : vector<16xi1>, vector<16xi32>
        %add3A_367 = arith.addi %convert_element_type3A_358, %select_n3A_366 : vector<16xi32>
        tpu.vector_store_idx %arg10[%add3A_367], %broadcast_in_dim3A_35 {add = true} : memref<43008xi32, #tpu.memory_space<vmem>>[vector<16xi32>], vector<16xi32>,
        %mul3A_368 = arith.mulf %exp3A_173, %div3A_256 : vector<16xf32>
        %min3A_369 = arith.constant 1.023500e+03 : f32
        %min3A_370 = vector.broadcast %min3A_369 : f32 to vector<16xf32>
        %min3A_371 = arith.minimumf %mul3A_368, %min3A_370 : vector<16xf32>
        %convert_element_type3A_372 = arith.fptosi %min3A_371 : vector<16xf32> to vector<16xi32>
        %eq3A_373 = arith.constant 8 : i32
        %eq3A_374 = vector.broadcast %eq3A_373 : i32 to vector<16xi32>
        %eq3A_375 = arith.cmpi eq, %get3A_129, %eq3A_374 : vector<16xi32>
        %jit3A_376 = arith.constant 29696 : i32
        %jit3A_377 = arith.constant 8192 : i32
        %broadcast_in_dim3A_378 = vector.broadcast %jit3A_376 : i32 to vector<16xi32>
        %broadcast_in_dim3A_379 = vector.broadcast %jit3A_377 : i32 to vector<16xi32>
        %select_n3A_380 = arith.select %eq3A_375, %broadcast_in_dim3A_378, %broadcast_in_dim3A_379 : vector<16xi1>, vector<16xi32>
        %add3A_381 = arith.addi %convert_element_type3A_372, %select_n3A_380 : vector<16xi32>
        tpu.vector_store_idx %arg10[%add3A_381], %broadcast_in_dim3A_35 {add = true} : memref<43008xi32, #tpu.memory_space<vmem>>[vector<16xi32>], vector<16xi32>,
        %mul3A_382 = arith.mulf %exp3A_178, %div3A_256 : vector<16xf32>
        %min3A_383 = arith.constant 1.023500e+03 : f32
        %min3A_384 = vector.broadcast %min3A_383 : f32 to vector<16xf32>
        %min3A_385 = arith.minimumf %mul3A_382, %min3A_384 : vector<16xf32>
        %convert_element_type3A_386 = arith.fptosi %min3A_385 : vector<16xf32> to vector<16xi32>
        %eq3A_387 = arith.constant 9 : i32
        %eq3A_388 = vector.broadcast %eq3A_387 : i32 to vector<16xi32>
        %eq3A_389 = arith.cmpi eq, %get3A_129, %eq3A_388 : vector<16xi32>
        %jit3A_390 = arith.constant 30720 : i32
        %jit3A_391 = arith.constant 9216 : i32
        %broadcast_in_dim3A_392 = vector.broadcast %jit3A_390 : i32 to vector<16xi32>
        %broadcast_in_dim3A_393 = vector.broadcast %jit3A_391 : i32 to vector<16xi32>
        %select_n3A_394 = arith.select %eq3A_389, %broadcast_in_dim3A_392, %broadcast_in_dim3A_393 : vector<16xi1>, vector<16xi32>
        %add3A_395 = arith.addi %convert_element_type3A_386, %select_n3A_394 : vector<16xi32>
        tpu.vector_store_idx %arg10[%add3A_395], %broadcast_in_dim3A_35 {add = true} : memref<43008xi32, #tpu.memory_space<vmem>>[vector<16xi32>], vector<16xi32>,
        %mul3A_396 = arith.mulf %exp3A_183, %div3A_256 : vector<16xf32>
        %min3A_397 = arith.constant 1.023500e+03 : f32
        %min3A_398 = vector.broadcast %min3A_397 : f32 to vector<16xf32>
        %min3A_399 = arith.minimumf %mul3A_396, %min3A_398 : vector<16xf32>
        %convert_element_type3A_400 = arith.fptosi %min3A_399 : vector<16xf32> to vector<16xi32>
        %eq3A_401 = arith.constant 10 : i32
        %eq3A_402 = vector.broadcast %eq3A_401 : i32 to vector<16xi32>
        %eq3A_403 = arith.cmpi eq, %get3A_129, %eq3A_402 : vector<16xi32>
        %jit3A_404 = arith.constant 31744 : i32
        %jit3A_405 = arith.constant 10240 : i32
        %broadcast_in_dim3A_406 = vector.broadcast %jit3A_404 : i32 to vector<16xi32>
        %broadcast_in_dim3A_407 = vector.broadcast %jit3A_405 : i32 to vector<16xi32>
        %select_n3A_408 = arith.select %eq3A_403, %broadcast_in_dim3A_406, %broadcast_in_dim3A_407 : vector<16xi1>, vector<16xi32>
        %add3A_409 = arith.addi %convert_element_type3A_400, %select_n3A_408 : vector<16xi32>
        tpu.vector_store_idx %arg10[%add3A_409], %broadcast_in_dim3A_35 {add = true} : memref<43008xi32, #tpu.memory_space<vmem>>[vector<16xi32>], vector<16xi32>,
        %mul3A_410 = arith.mulf %exp3A_188, %div3A_256 : vector<16xf32>
        %min3A_411 = arith.constant 1.023500e+03 : f32
        %min3A_412 = vector.broadcast %min3A_411 : f32 to vector<16xf32>
        %min3A_413 = arith.minimumf %mul3A_410, %min3A_412 : vector<16xf32>
        %convert_element_type3A_414 = arith.fptosi %min3A_413 : vector<16xf32> to vector<16xi32>
        %eq3A_415 = arith.constant 11 : i32
        %eq3A_416 = vector.broadcast %eq3A_415 : i32 to vector<16xi32>
        %eq3A_417 = arith.cmpi eq, %get3A_129, %eq3A_416 : vector<16xi32>
        %jit3A_418 = arith.constant 32768 : i32
        %jit3A_419 = arith.constant 11264 : i32
        %broadcast_in_dim3A_420 = vector.broadcast %jit3A_418 : i32 to vector<16xi32>
        %broadcast_in_dim3A_421 = vector.broadcast %jit3A_419 : i32 to vector<16xi32>
        %select_n3A_422 = arith.select %eq3A_417, %broadcast_in_dim3A_420, %broadcast_in_dim3A_421 : vector<16xi1>, vector<16xi32>
        %add3A_423 = arith.addi %convert_element_type3A_414, %select_n3A_422 : vector<16xi32>
        tpu.vector_store_idx %arg10[%add3A_423], %broadcast_in_dim3A_35 {add = true} : memref<43008xi32, #tpu.memory_space<vmem>>[vector<16xi32>], vector<16xi32>,
        %mul3A_424 = arith.mulf %exp3A_193, %div3A_256 : vector<16xf32>
        %min3A_425 = arith.constant 1.023500e+03 : f32
        %min3A_426 = vector.broadcast %min3A_425 : f32 to vector<16xf32>
        %min3A_427 = arith.minimumf %mul3A_424, %min3A_426 : vector<16xf32>
        %convert_element_type3A_428 = arith.fptosi %min3A_427 : vector<16xf32> to vector<16xi32>
        %eq3A_429 = arith.constant 12 : i32
        %eq3A_430 = vector.broadcast %eq3A_429 : i32 to vector<16xi32>
        %eq3A_431 = arith.cmpi eq, %get3A_129, %eq3A_430 : vector<16xi32>
        %jit3A_432 = arith.constant 33792 : i32
        %jit3A_433 = arith.constant 12288 : i32
        %broadcast_in_dim3A_434 = vector.broadcast %jit3A_432 : i32 to vector<16xi32>
        %broadcast_in_dim3A_435 = vector.broadcast %jit3A_433 : i32 to vector<16xi32>
        %select_n3A_436 = arith.select %eq3A_431, %broadcast_in_dim3A_434, %broadcast_in_dim3A_435 : vector<16xi1>, vector<16xi32>
        %add3A_437 = arith.addi %convert_element_type3A_428, %select_n3A_436 : vector<16xi32>
        tpu.vector_store_idx %arg10[%add3A_437], %broadcast_in_dim3A_35 {add = true} : memref<43008xi32, #tpu.memory_space<vmem>>[vector<16xi32>], vector<16xi32>,
        %mul3A_438 = arith.mulf %exp3A_198, %div3A_256 : vector<16xf32>
        %min3A_439 = arith.constant 1.023500e+03 : f32
        %min3A_440 = vector.broadcast %min3A_439 : f32 to vector<16xf32>
        %min3A_441 = arith.minimumf %mul3A_438, %min3A_440 : vector<16xf32>
        %convert_element_type3A_442 = arith.fptosi %min3A_441 : vector<16xf32> to vector<16xi32>
        %eq3A_443 = arith.constant 13 : i32
        %eq3A_444 = vector.broadcast %eq3A_443 : i32 to vector<16xi32>
        %eq3A_445 = arith.cmpi eq, %get3A_129, %eq3A_444 : vector<16xi32>
        %jit3A_446 = arith.constant 34816 : i32
        %jit3A_447 = arith.constant 13312 : i32
        %broadcast_in_dim3A_448 = vector.broadcast %jit3A_446 : i32 to vector<16xi32>
        %broadcast_in_dim3A_449 = vector.broadcast %jit3A_447 : i32 to vector<16xi32>
        %select_n3A_450 = arith.select %eq3A_445, %broadcast_in_dim3A_448, %broadcast_in_dim3A_449 : vector<16xi1>, vector<16xi32>
        %add3A_451 = arith.addi %convert_element_type3A_442, %select_n3A_450 : vector<16xi32>
        tpu.vector_store_idx %arg10[%add3A_451], %broadcast_in_dim3A_35 {add = true} : memref<43008xi32, #tpu.memory_space<vmem>>[vector<16xi32>], vector<16xi32>,
        %mul3A_452 = arith.mulf %exp3A_203, %div3A_256 : vector<16xf32>
        %min3A_453 = arith.constant 1.023500e+03 : f32
        %min3A_454 = vector.broadcast %min3A_453 : f32 to vector<16xf32>
        %min3A_455 = arith.minimumf %mul3A_452, %min3A_454 : vector<16xf32>
        %convert_element_type3A_456 = arith.fptosi %min3A_455 : vector<16xf32> to vector<16xi32>
        %eq3A_457 = arith.constant 14 : i32
        %eq3A_458 = vector.broadcast %eq3A_457 : i32 to vector<16xi32>
        %eq3A_459 = arith.cmpi eq, %get3A_129, %eq3A_458 : vector<16xi32>
        %jit3A_460 = arith.constant 35840 : i32
        %jit3A_461 = arith.constant 14336 : i32
        %broadcast_in_dim3A_462 = vector.broadcast %jit3A_460 : i32 to vector<16xi32>
        %broadcast_in_dim3A_463 = vector.broadcast %jit3A_461 : i32 to vector<16xi32>
        %select_n3A_464 = arith.select %eq3A_459, %broadcast_in_dim3A_462, %broadcast_in_dim3A_463 : vector<16xi1>, vector<16xi32>
        %add3A_465 = arith.addi %convert_element_type3A_456, %select_n3A_464 : vector<16xi32>
        tpu.vector_store_idx %arg10[%add3A_465], %broadcast_in_dim3A_35 {add = true} : memref<43008xi32, #tpu.memory_space<vmem>>[vector<16xi32>], vector<16xi32>,
        %mul3A_466 = arith.mulf %exp3A_208, %div3A_256 : vector<16xf32>
        %min3A_467 = arith.constant 1.023500e+03 : f32
        %min3A_468 = vector.broadcast %min3A_467 : f32 to vector<16xf32>
        %min3A_469 = arith.minimumf %mul3A_466, %min3A_468 : vector<16xf32>
        %convert_element_type3A_470 = arith.fptosi %min3A_469 : vector<16xf32> to vector<16xi32>
        %eq3A_471 = arith.constant 15 : i32
        %eq3A_472 = vector.broadcast %eq3A_471 : i32 to vector<16xi32>
        %eq3A_473 = arith.cmpi eq, %get3A_129, %eq3A_472 : vector<16xi32>
        %jit3A_474 = arith.constant 36864 : i32
        %jit3A_475 = arith.constant 15360 : i32
        %broadcast_in_dim3A_476 = vector.broadcast %jit3A_474 : i32 to vector<16xi32>
        %broadcast_in_dim3A_477 = vector.broadcast %jit3A_475 : i32 to vector<16xi32>
        %select_n3A_478 = arith.select %eq3A_473, %broadcast_in_dim3A_476, %broadcast_in_dim3A_477 : vector<16xi1>, vector<16xi32>
        %add3A_479 = arith.addi %convert_element_type3A_470, %select_n3A_478 : vector<16xi32>
        tpu.vector_store_idx %arg10[%add3A_479], %broadcast_in_dim3A_35 {add = true} : memref<43008xi32, #tpu.memory_space<vmem>>[vector<16xi32>], vector<16xi32>,
        %mul3A_480 = arith.mulf %exp3A_213, %div3A_256 : vector<16xf32>
        %min3A_481 = arith.constant 1.023500e+03 : f32
        %min3A_482 = vector.broadcast %min3A_481 : f32 to vector<16xf32>
        %min3A_483 = arith.minimumf %mul3A_480, %min3A_482 : vector<16xf32>
        %convert_element_type3A_484 = arith.fptosi %min3A_483 : vector<16xf32> to vector<16xi32>
        %eq3A_485 = arith.constant 16 : i32
        %eq3A_486 = vector.broadcast %eq3A_485 : i32 to vector<16xi32>
        %eq3A_487 = arith.cmpi eq, %get3A_129, %eq3A_486 : vector<16xi32>
        %jit3A_488 = arith.constant 37888 : i32
        %jit3A_489 = arith.constant 16384 : i32
        %broadcast_in_dim3A_490 = vector.broadcast %jit3A_488 : i32 to vector<16xi32>
        %broadcast_in_dim3A_491 = vector.broadcast %jit3A_489 : i32 to vector<16xi32>
        %select_n3A_492 = arith.select %eq3A_487, %broadcast_in_dim3A_490, %broadcast_in_dim3A_491 : vector<16xi1>, vector<16xi32>
        %add3A_493 = arith.addi %convert_element_type3A_484, %select_n3A_492 : vector<16xi32>
        tpu.vector_store_idx %arg10[%add3A_493], %broadcast_in_dim3A_35 {add = true} : memref<43008xi32, #tpu.memory_space<vmem>>[vector<16xi32>], vector<16xi32>,
        %mul3A_494 = arith.mulf %exp3A_218, %div3A_256 : vector<16xf32>
        %min3A_495 = arith.constant 1.023500e+03 : f32
        %min3A_496 = vector.broadcast %min3A_495 : f32 to vector<16xf32>
        %min3A_497 = arith.minimumf %mul3A_494, %min3A_496 : vector<16xf32>
        %convert_element_type3A_498 = arith.fptosi %min3A_497 : vector<16xf32> to vector<16xi32>
        %eq3A_499 = arith.constant 17 : i32
        %eq3A_500 = vector.broadcast %eq3A_499 : i32 to vector<16xi32>
        %eq3A_501 = arith.cmpi eq, %get3A_129, %eq3A_500 : vector<16xi32>
        %jit3A_502 = arith.constant 38912 : i32
        %jit3A_503 = arith.constant 17408 : i32
        %broadcast_in_dim3A_504 = vector.broadcast %jit3A_502 : i32 to vector<16xi32>
        %broadcast_in_dim3A_505 = vector.broadcast %jit3A_503 : i32 to vector<16xi32>
        %select_n3A_506 = arith.select %eq3A_501, %broadcast_in_dim3A_504, %broadcast_in_dim3A_505 : vector<16xi1>, vector<16xi32>
        %add3A_507 = arith.addi %convert_element_type3A_498, %select_n3A_506 : vector<16xi32>
        tpu.vector_store_idx %arg10[%add3A_507], %broadcast_in_dim3A_35 {add = true} : memref<43008xi32, #tpu.memory_space<vmem>>[vector<16xi32>], vector<16xi32>,
        %mul3A_508 = arith.mulf %exp3A_223, %div3A_256 : vector<16xf32>
        %min3A_509 = arith.constant 1.023500e+03 : f32
        %min3A_510 = vector.broadcast %min3A_509 : f32 to vector<16xf32>
        %min3A_511 = arith.minimumf %mul3A_508, %min3A_510 : vector<16xf32>
        %convert_element_type3A_512 = arith.fptosi %min3A_511 : vector<16xf32> to vector<16xi32>
        %eq3A_513 = arith.constant 18 : i32
        %eq3A_514 = vector.broadcast %eq3A_513 : i32 to vector<16xi32>
        %eq3A_515 = arith.cmpi eq, %get3A_129, %eq3A_514 : vector<16xi32>
        %jit3A_516 = arith.constant 39936 : i32
        %jit3A_517 = arith.constant 18432 : i32
        %broadcast_in_dim3A_518 = vector.broadcast %jit3A_516 : i32 to vector<16xi32>
        %broadcast_in_dim3A_519 = vector.broadcast %jit3A_517 : i32 to vector<16xi32>
        %select_n3A_520 = arith.select %eq3A_515, %broadcast_in_dim3A_518, %broadcast_in_dim3A_519 : vector<16xi1>, vector<16xi32>
        %add3A_521 = arith.addi %convert_element_type3A_512, %select_n3A_520 : vector<16xi32>
        tpu.vector_store_idx %arg10[%add3A_521], %broadcast_in_dim3A_35 {add = true} : memref<43008xi32, #tpu.memory_space<vmem>>[vector<16xi32>], vector<16xi32>,
        %mul3A_522 = arith.mulf %exp3A_228, %div3A_256 : vector<16xf32>
        %min3A_523 = arith.constant 1.023500e+03 : f32
        %min3A_524 = vector.broadcast %min3A_523 : f32 to vector<16xf32>
        %min3A_525 = arith.minimumf %mul3A_522, %min3A_524 : vector<16xf32>
        %convert_element_type3A_526 = arith.fptosi %min3A_525 : vector<16xf32> to vector<16xi32>
        %eq3A_527 = arith.constant 19 : i32
        %eq3A_528 = vector.broadcast %eq3A_527 : i32 to vector<16xi32>
        %eq3A_529 = arith.cmpi eq, %get3A_129, %eq3A_528 : vector<16xi32>
        %jit3A_530 = arith.constant 40960 : i32
        %jit3A_531 = arith.constant 19456 : i32
        %broadcast_in_dim3A_532 = vector.broadcast %jit3A_530 : i32 to vector<16xi32>
        %broadcast_in_dim3A_533 = vector.broadcast %jit3A_531 : i32 to vector<16xi32>
        %select_n3A_534 = arith.select %eq3A_529, %broadcast_in_dim3A_532, %broadcast_in_dim3A_533 : vector<16xi1>, vector<16xi32>
        %add3A_535 = arith.addi %convert_element_type3A_526, %select_n3A_534 : vector<16xi32>
        tpu.vector_store_idx %arg10[%add3A_535], %broadcast_in_dim3A_35 {add = true} : memref<43008xi32, #tpu.memory_space<vmem>>[vector<16xi32>], vector<16xi32>,
        %mul3A_536 = arith.mulf %exp3A_233, %div3A_256 : vector<16xf32>
        %min3A_537 = arith.constant 1.023500e+03 : f32
        %min3A_538 = vector.broadcast %min3A_537 : f32 to vector<16xf32>
        %min3A_539 = arith.minimumf %mul3A_536, %min3A_538 : vector<16xf32>
        %convert_element_type3A_540 = arith.fptosi %min3A_539 : vector<16xf32> to vector<16xi32>
        %eq3A_541 = arith.constant 20 : i32
        %eq3A_542 = vector.broadcast %eq3A_541 : i32 to vector<16xi32>
        %eq3A_543 = arith.cmpi eq, %get3A_129, %eq3A_542 : vector<16xi32>
        %jit3A_544 = arith.constant 41984 : i32
        %jit3A_545 = arith.constant 20480 : i32
        %broadcast_in_dim3A_546 = vector.broadcast %jit3A_544 : i32 to vector<16xi32>
        %broadcast_in_dim3A_547 = vector.broadcast %jit3A_545 : i32 to vector<16xi32>
        %select_n3A_548 = arith.select %eq3A_543, %broadcast_in_dim3A_546, %broadcast_in_dim3A_547 : vector<16xi1>, vector<16xi32>
        %add3A_549 = arith.addi %convert_element_type3A_540, %select_n3A_548 : vector<16xi32>
        tpu.vector_store_idx %arg10[%add3A_549], %broadcast_in_dim3A_35 {add = true} : memref<43008xi32, #tpu.memory_space<vmem>>[vector<16xi32>], vector<16xi32>,
      }
      %scan3A_125 = arith.constant 32 : i32
    }
    %scan3A_59 = arith.constant 32 : i32
    "tpu.region"() ({
      %run_scoped3A = tpu.sem_alloc : memref<!tpu.dma_semaphore, #tpu.memory_space<semaphore_mem>>
      %dma_start3A_60 = arith.constant 0 : i32
      %dma_start3A_61 = tpu.memref_slice %arg4[%add3A, %dma_start3A_60] : memref<32x43008xi32, #tpu.memory_space<hbm>> -> memref<1x43008xi32, #tpu.memory_space<hbm>>
      %dma_start3A_62 = tpu.memref_squeeze %dma_start3A_61 : memref<1x43008xi32, #tpu.memory_space<hbm>> -> memref<43008xi32, #tpu.memory_space<hbm>>
      %dma_start3A_63 = arith.constant 0 : i32
      %dma_start3A_64 = tpu.memref_slice %arg4[%add3A, %dma_start3A_63] : memref<32x43008xi32, #tpu.memory_space<hbm>> -> memref<1x43008xi32, #tpu.memory_space<hbm>>
      %dma_start3A_65 = tpu.memref_squeeze %dma_start3A_64 : memref<1x43008xi32, #tpu.memory_space<hbm>> -> memref<43008xi32, #tpu.memory_space<hbm>>
      tpu.enqueue_dma source(%arg10 : memref<43008xi32, #tpu.memory_space<vmem>>) target(%dma_start3A_65 : memref<43008xi32, #tpu.memory_space<hbm>>) target_semaphore(%run_scoped3A : memref<!tpu.dma_semaphore, #tpu.memory_space<semaphore_mem>>)
      %dma_wait3A = arith.constant 0 : i32
      %dma_wait3A_66 = tpu.memref_slice %arg4[%add3A, %dma_wait3A] : memref<32x43008xi32, #tpu.memory_space<hbm>> -> memref<1x43008xi32, #tpu.memory_space<hbm>>
      %dma_wait3A_67 = tpu.memref_squeeze %dma_wait3A_66 : memref<1x43008xi32, #tpu.memory_space<hbm>> -> memref<43008xi32, #tpu.memory_space<hbm>>
      %dma_wait3A_68 = arith.constant 0 : i32
      %dma_wait3A_69 = tpu.memref_slice %arg4[%add3A, %dma_wait3A_68] : memref<32x43008xi32, #tpu.memory_space<hbm>> -> memref<1x43008xi32, #tpu.memory_space<hbm>>
      %dma_wait3A_70 = tpu.memref_squeeze %dma_wait3A_69 : memref<1x43008xi32, #tpu.memory_space<hbm>> -> memref<43008xi32, #tpu.memory_space<hbm>>
      tpu.wait_dma2 semaphore(%run_scoped3A : memref<!tpu.dma_semaphore, #tpu.memory_space<semaphore_mem>>) src(%arg10 : memref<43008xi32, #tpu.memory_space<vmem>>) dst(%dma_wait3A_70 : memref<43008xi32, #tpu.memory_space<hbm>>)
      tpu.yield
    }) : () -> ()
    return
  }
}

module attributes {stable_mosaic.version = 14 : i64} {
  func.func @_tc_finalize_body(%arg0: memref<32x42x1024xi32, #tpu.memory_space<vmem>>, %arg1: memref<1x1xf32, #tpu.memory_space<vmem>>) attributes {dimension_semantics = [], scalar_prefetch = 0 : i64, scratch_operands = 0 : i64, tpu.core_type = #tpu.core_type<tc>} {
    %get3A = arith.constant 0 : index
    %get3A_0 = arith.constant 0 : index
    %get3A_1 = arith.constant 0 : index
    %get3A_2 = vector.load %arg0[%get3A, %get3A_0, %get3A_1] : memref<32x42x1024xi32, #tpu.memory_space<vmem>>, vector<32x42x1024xi32>
    %reduce_sum3A = arith.constant dense<0> : vector<42x1024xi32>
    %reduce_sum3A_3 = vector.multi_reduction <add>, %get3A_2, %reduce_sum3A [0] : vector<32x42x1024xi32> to vector<42x1024xi32>
    %convert_element_type3A = arith.sitofp %reduce_sum3A_3 : vector<42x1024xi32> to vector<42x1024xf32>
    %iota3A = tpu.iota {dimensions = array<i32: 0>} : vector<1024x1024xi32>
    %iota3A_4 = tpu.iota {dimensions = array<i32: 1>} : vector<1024x1024xi32>
    %add3A = arith.addi %iota3A, %iota3A_4 : vector<1024x1024xi32>
    %eq3A = arith.constant 1023 : i32
    %eq3A_5 = vector.broadcast %eq3A : i32 to vector<1024x1024xi32>
    %eq3A_6 = arith.cmpi eq, %add3A, %eq3A_5 : vector<1024x1024xi32>
    %convert_element_type3A_7 = arith.extui %eq3A_6 : vector<1024x1024xi1> to vector<1024x1024xi32>
    %convert_element_type3A_8 = arith.sitofp %convert_element_type3A_7 : vector<1024x1024xi32> to vector<1024x1024xf32>
    %slice3A = vector.extract_strided_slice %convert_element_type3A {offsets = [21, 0], sizes = [21, 1024], strides = [1, 1]} : vector<42x1024xf32> to vector<21x1024xf32>
    %dot_general3A = arith.constant dense<0.000000e+00> : vector<21x1024xf32>
    %dot_general3A_9 = tpu.matmul %slice3A, %convert_element_type3A_8, %dot_general3A {dimension_numbers = #tpu.dot_dimension_numbers<[1], [0], [0], [1], [0, 0, 1, 1], [], []>, precision = #tpu.contract_precision<fp32>, transpose_lhs_hint = false} : vector<21x1024xf32>, vector<1024x1024xf32>, vector<21x1024xf32> -> vector<21x1024xf32>
    %slice3A_10 = vector.extract_strided_slice %convert_element_type3A {offsets = [0, 0], sizes = [21, 1024], strides = [1, 1]} : vector<42x1024xf32> to vector<21x1024xf32>
    %add3A_11 = arith.addf %slice3A_10, %dot_general3A_9 : vector<21x1024xf32>
    %ge3A = arith.cmpi sge, %iota3A, %iota3A_4 : vector<1024x1024xi32>
    %convert_element_type3A_12 = arith.extui %ge3A : vector<1024x1024xi1> to vector<1024x1024xi32>
    %convert_element_type3A_13 = arith.sitofp %convert_element_type3A_12 : vector<1024x1024xi32> to vector<1024x1024xf32>
    %dot_general3A_14 = arith.constant dense<0.000000e+00> : vector<21x1024xf32>
    %dot_general3A_15 = tpu.matmul %add3A_11, %convert_element_type3A_13, %dot_general3A_14 {dimension_numbers = #tpu.dot_dimension_numbers<[1], [0], [0], [1], [0, 0, 1, 1], [], []>, precision = #tpu.contract_precision<fp32>, transpose_lhs_hint = false} : vector<21x1024xf32>, vector<1024x1024xf32>, vector<21x1024xf32> -> vector<21x1024xf32>
    %dot_general3A_16 = arith.constant dense<0.000000e+00> : vector<21x1024xf32>
    %dot_general3A_17 = tpu.matmul %dot_general3A_9, %convert_element_type3A_13, %dot_general3A_16 {dimension_numbers = #tpu.dot_dimension_numbers<[1], [0], [0], [1], [0, 0, 1, 1], [], []>, precision = #tpu.contract_precision<fp32>, transpose_lhs_hint = false} : vector<21x1024xf32>, vector<1024x1024xf32>, vector<21x1024xf32> -> vector<21x1024xf32>
    %slice3A_18 = vector.extract_strided_slice %dot_general3A_17 {offsets = [0, 0], sizes = [21, 1], strides = [1, 1]} : vector<21x1024xf32> to vector<21x1xf32>
    %sub3A = vector.broadcast %slice3A_18 : vector<21x1xf32> to vector<21x1024xf32>
    %sub3A_19 = arith.subf %sub3A, %dot_general3A_17 : vector<21x1024xf32>
    %add3A_20 = vector.broadcast %slice3A_18 : vector<21x1xf32> to vector<21x1024xf32>
    %add3A_21 = arith.addf %add3A_20, %dot_general3A_15 : vector<21x1024xf32>
    %sub3A_22 = arith.subf %add3A_21, %dot_general3A_17 : vector<21x1024xf32>
    %max3A = arith.constant 1.000000e+00 : f32
    %max3A_23 = vector.broadcast %max3A : f32 to vector<21x1024xf32>
    %max3A_24 = arith.maximumf %sub3A_22, %max3A_23 : vector<21x1024xf32>
    %div3A = arith.divf %sub3A_19, %max3A_24 : vector<21x1024xf32>
    %sub3A_25 = arith.constant 1.000000e+00 : f32
    %sub3A_26 = vector.broadcast %sub3A_25 : f32 to vector<21x1024xf32>
    %sub3A_27 = arith.subf %sub3A_26, %div3A : vector<21x1024xf32>
    %sub3A_28 = arith.subf %dot_general3A_15, %add3A_11 : vector<21x1024xf32>
    %sub3A_29 = arith.subf %dot_general3A_17, %dot_general3A_9 : vector<21x1024xf32>
    %sub3A_30 = vector.broadcast %slice3A_18 : vector<21x1xf32> to vector<21x1024xf32>
    %sub3A_31 = arith.subf %sub3A_30, %sub3A_29 : vector<21x1024xf32>
    %add3A_32 = vector.broadcast %slice3A_18 : vector<21x1xf32> to vector<21x1024xf32>
    %add3A_33 = arith.addf %add3A_32, %sub3A_28 : vector<21x1024xf32>
    %sub3A_34 = arith.subf %add3A_33, %sub3A_29 : vector<21x1024xf32>
    %max3A_35 = arith.constant 1.000000e+00 : f32
    %max3A_36 = vector.broadcast %max3A_35 : f32 to vector<21x1024xf32>
    %max3A_37 = arith.maximumf %sub3A_34, %max3A_36 : vector<21x1024xf32>
    %div3A_38 = arith.divf %sub3A_31, %max3A_37 : vector<21x1024xf32>
    %sub3A_39 = arith.constant 1.000000e+00 : f32
    %sub3A_40 = vector.broadcast %sub3A_39 : f32 to vector<21x1024xf32>
    %sub3A_41 = arith.subf %sub3A_40, %div3A_38 : vector<21x1024xf32>
    %iota3A_42 = tpu.iota {dimensions = array<i32: 1>} : vector<21x1024xi32>
    %convert_element_type3A_43 = arith.sitofp %iota3A_42 : vector<21x1024xi32> to vector<21x1024xf32>
    %add3A_44 = arith.constant 5.000000e-01 : f32
    %add3A_45 = vector.broadcast %add3A_44 : f32 to vector<21x1024xf32>
    %add3A_46 = arith.addf %convert_element_type3A_43, %add3A_45 : vector<21x1024xf32>
    %div3A_47 = arith.constant 1.024000e+03 : f32
    %div3A_48 = vector.broadcast %div3A_47 : f32 to vector<21x1024xf32>
    %div3A_49 = arith.divf %add3A_46, %div3A_48 : vector<21x1024xf32>
    %sub3A_50 = arith.subf %sub3A_27, %sub3A_41 : vector<21x1024xf32>
    %mul3A = arith.mulf %div3A_49, %sub3A_50 : vector<21x1024xf32>
    %reduce_sum3A_51 = arith.constant dense<0.000000e+00> : vector<21xf32>
    %reduce_sum3A_52 = vector.multi_reduction <add>, %mul3A, %reduce_sum3A_51 [1] : vector<21x1024xf32> to vector<21xf32>
    %broadcast_in_dim3A = vector.shape_cast %reduce_sum3A_52 : vector<21xf32> to vector<21x1xf32>
    %gt3A = arith.constant 0.000000e+00 : f32
    %gt3A_53 = vector.broadcast %gt3A : f32 to vector<21x1xf32>
    %gt3A_54 = arith.cmpf ogt, %slice3A_18, %gt3A_53 : vector<21x1xf32>
    %jit3A = arith.constant 0.000000e+00 : f32
    %broadcast_in_dim3A_55 = vector.broadcast %jit3A : f32 to vector<21x1xf32>
    %select_n3A = arith.select %gt3A_54, %broadcast_in_dim3A, %broadcast_in_dim3A_55 : vector<21x1xi1>, vector<21x1xf32>
    %reduce_sum3A_56 = vector.shape_cast %select_n3A : vector<21x1xf32> to vector<1x21x1xf32>
    %reduce_sum3A_57 = arith.constant dense<0.000000e+00> : vector<1xf32>
    %reduce_sum3A_58 = vector.multi_reduction <add>, %reduce_sum3A_56, %reduce_sum3A_57 [1, 2] : vector<1x21x1xf32> to vector<1xf32>
    %reduce_sum3A_59 = vector.shape_cast %reduce_sum3A_58 : vector<1xf32> to vector<1x1x1xf32>
    %reduce_sum3A_60 = vector.extract %reduce_sum3A_59[0, 0, 0] : f32 from vector<1x1x1xf32>
    %broadcast_in_dim3A_61 = vector.broadcast %reduce_sum3A_60 : f32 to vector<1x1xf32>
    %convert_element_type3A_62 = arith.extui %gt3A_54 : vector<21x1xi1> to vector<21x1xi32>
    %convert_element_type3A_63 = arith.sitofp %convert_element_type3A_62 : vector<21x1xi32> to vector<21x1xf32>
    %reduce_sum3A_64 = vector.shape_cast %convert_element_type3A_63 : vector<21x1xf32> to vector<1x21x1xf32>
    %reduce_sum3A_65 = arith.constant dense<0.000000e+00> : vector<1xf32>
    %reduce_sum3A_66 = vector.multi_reduction <add>, %reduce_sum3A_64, %reduce_sum3A_65 [1, 2] : vector<1x21x1xf32> to vector<1xf32>
    %reduce_sum3A_67 = vector.shape_cast %reduce_sum3A_66 : vector<1xf32> to vector<1x1x1xf32>
    %reduce_sum3A_68 = vector.extract %reduce_sum3A_67[0, 0, 0] : f32 from vector<1x1x1xf32>
    %broadcast_in_dim3A_69 = vector.broadcast %reduce_sum3A_68 : f32 to vector<1x1xf32>
    %gt3A_70 = arith.constant 0.000000e+00 : f32
    %gt3A_71 = vector.broadcast %gt3A_70 : f32 to vector<1x1xf32>
    %gt3A_72 = arith.cmpf ogt, %broadcast_in_dim3A_69, %gt3A_71 : vector<1x1xf32>
    %max3A_73 = arith.constant 1.000000e+00 : f32
    %max3A_74 = vector.broadcast %max3A_73 : f32 to vector<1x1xf32>
    %max3A_75 = arith.maximumf %broadcast_in_dim3A_69, %max3A_74 : vector<1x1xf32>
    %div3A_76 = arith.divf %broadcast_in_dim3A_61, %max3A_75 : vector<1x1xf32>
    %jit3A_77 = arith.constant 0.000000e+00 : f32
    %broadcast_in_dim3A_78 = vector.broadcast %jit3A_77 : f32 to vector<1x1xf32>
    %select_n3A_79 = arith.select %gt3A_72, %div3A_76, %broadcast_in_dim3A_78 : vector<1x1xi1>, vector<1x1xf32>
    %swap3A = arith.constant 0 : index
    %swap3A_80 = arith.constant 0 : index
    %swap3A_81 = vector.load %arg1[%swap3A, %swap3A_80] : memref<1x1xf32, #tpu.memory_space<vmem>>, vector<1x1xf32>
    tpu.vector_store %arg1[%swap3A, %swap3A_80], %select_n3A_79 {strides = array<i32>} : memref<1x1xf32, #tpu.memory_space<vmem>>, vector<1x1xf32>,
    return
  }
}

</mosaic_0001>

<sc_bundles>
// kernel: kernel.4.cloned.1.call-start
scs
__scs_entry_jumppad:
0x0: {  	(pc) =	sbr.rel $0x88, $3  }
0x1: {  	(tag) =	ssettag $0x0;
	lr =	simm.s32 $0x1  }
0x2: {  	[smem:$0x3F9F] =	sst lr;
	_ =	strace $0xD0000000  }
0x3: {  	_ = 	snop  }
0x4: {  	_ = 	snop  }
0x5: {  	_ = 	snop  }
0x6: {  	_ = 	snop  }
0x7: {  	_ = 	snop  }
__scs_overlays_trampoline_lowered:
0x8: {  	[smem:$0x3FAE] =	sst s0  }
0x9: {  	[smem:$0x3FAF] =	sst s1  }
0xa: {  	[smem:$0x3FB0] =	sst s2  }
0xb: {  	[smem:$0x3FB1] =	sst s3  }
0xc: {  	[smem:$0x3FB2] =	sst s4  }
0xd: {  	[smem:$0x3FB3] =	sst s5  }
0xe: {  	[smem:$0x3FB4] =	sst s6  }
0xf: {  	[smem:$0x3FB5] =	sst s7  }
0x10: {  	[smem:$0x3FB6] =	sst s8  }
0x11: {  	[smem:$0x3FB7] =	sst s9;
	s0 =	simm.s32 @!p0 $0x0  }
0x12: {  	s1 =	sld [smem:$0x3F9D];
	s0 =	simm.s32 @p0 $0x1  }
0x13: {  	[smem:$0x3FB8] =	sst s0;
	s0 =	simm.s32 @!p1 $0x0  }
0x14: {  	s2 =	sld [smem:$0x3F9C];
	s0 =	simm.s32 @p1 $0x1  }
0x15: {  	[smem:$0x3FB9] =	sst s0;
	s0 =	simm.s32 @!p2 $0x0  }
0x16: {  	s3 =	sld [smem:$0x3FDB];
	s0 =	simm.s32 @p2 $0x1  }
0x17: {  	s4 =	simm.s32 $0x1BF5;
	[smem:$0x3FBB] =	sst s0  }
0x18: {  	s0 =	sld [smem:$0x3F9E];
	_ =	swait.ge [sflag:s4], $0x0  }
0x19: {  	s7 =	sld [smem:$0x3F9F]  }
0x1a: {  	s8 =	sadd.s32 $0xFFFFE003, lr  }
0x1b: {  	s9 =	sadd.s32 $0xFFFFFEF7, lr;
	s5 =	simm.s32 $0xFFFFFFFF;
	p2 =	slt.u32 s8, $0xFFFFF086  }
0x1c: {  	p1 =	slt.u32 s9, $0xF7A;
	s5 =	simm.s32 @!p2 $0x0  }
0x1d: {  	s5 =	simm.s32 @p1 $0x1;
	p0 =	seq.s32 s7, s2  }
0x1e: {  	s7 =	smul.u32 @!p0 $0xF7A, s2;
	p2 =	seq.s32 @!p0 s5, $0x0  }
0x1f: {  	s9 =	smul.u32 $0xF7A, s1;
	s8 =	simm.s32 @!p0 $0x1BF5;
	p2 =	por !p2, p0  }
0x20: {  	[sflag:s8] =	ssyncset.s32 @!p0 $0xFFFFF086;
	s6 =	sadd.s32 @!p0 s3, s7;
	s7 =	simm.s32 @!p0 $0x108  }
0x21: {  	s3 =	sadd.s32 s3, s9;
	s6 =	sadd.s32 @!p0 $0x88, s6;
	s7 =	simm.s32 @p2 $0x1082  }
0x22: {  	[simem:s7], [sflag:s8] =	dma.local @!p0 [hbm:s6], $0xF7A  }
0x23: {  	s9 =	sor.u32 $0xD0000000, s2;
	s6 =	simm.s32 $0x108;
	_ =	swait.ge @!p0 [sflag:s8], $0x0  }
0x24: {  	s3 =	sadd.s32 $0x88, s3;
	s6 =	simm.s32 @!p1 $0x1082;
	[sflag:s4] =	ssyncset.s32 $0xFFFFF086  }
0x25: {  	[simem:s6], [sflag:s4] =	dma.local [hbm:s3], $0xF7A  }
0x26: {  	[smem:$0x3F9F] =	sst s1;
	(tag) =	ssettag s2;
	_ =	strace s9  }
0x27: {  	s1 =	sld [smem:$0x3FAF]  }
0x28: {  	s2 =	sld [smem:$0x3FB0]  }
0x29: {  	s4 =	sld [smem:$0x3FB2]  }
0x2a: {  	p0 =	seq.s32 s5, $0x0;
	s5 =	sld [smem:$0x3FB3]  }
0x2b: {  	s6 =	sld [smem:$0x3FB4]  }
0x2c: {  	s7 =	sld [smem:$0x3FB5]  }
0x2d: {  	s3 =	simm.s32 $0x108;
	s8 =	sld [smem:$0x3FB6]  }
0x2e: {  	s3 =	simm.s32 @!p0 $0x1082;
	s9 =	sld [smem:$0x3FB7]  }
0x2f: {  	lr =	sadd.s32 s0, s3;
	s0 =	sld [smem:$0x3FAE]  }
0x30: {  	s3 =	sld [smem:$0x3FB1]  }
0x31: {  	[smem:$0x3FBA] =	sst s10  }
0x32: {  	s10 =	sld [smem:$0x3FB8];
	_ =	sdelay $0x3  }
0x33: {  	p0 =	seq.s32 s10, $0x1;
	s10 =	sld [smem:$0x3FBA];
	_ =	sdelay $0x3  }
0x34: {  	[smem:$0x3FBA] =	sst s10  }
0x35: {  	s10 =	sld [smem:$0x3FB9];
	_ =	sdelay $0x3  }
0x36: {  	p1 =	seq.s32 s10, $0x1;
	s10 =	sld [smem:$0x3FBA];
	_ =	sdelay $0x3  }
0x37: {  	[smem:$0x3FBA] =	sst s10  }
0x38: {  	s10 =	sld [smem:$0x3FBB]  }
0x39: {  	_ = 	snop;
	(pc) =	sbr.ind lr, $3  }
0x3a: {  	_ = 	snop  }
0x3b: {  	_ = 	snop  }
0x3c: {  	p2 =	seq.s32 s10, $0x1;
	s10 =	sld [smem:$0x3FBA]  }
0x3d: {  	_ =	shalt  }
0x3e: {  	_ =	shalt  }
0x3f: {  	_ =	shalt  }
0x40: {  	_ =	shalt  }
0x41: {  	_ =	shalt  }
0x42: {  	_ =	shalt  }
0x43: {  	_ =	shalt  }
0x44: {  	_ =	shalt  }
0x45: {  	_ =	shalt  }
0x46: {  	_ =	shalt  }
0x47: {  	_ =	shalt  }
0x48: {  	_ =	shalt  }
0x49: {  	_ =	shalt  }
0x4a: {  	_ =	shalt  }
0x4b: {  	_ =	shalt  }
0x4c: {  	_ =	shalt  }
0x4d: {  	_ =	shalt  }
0x4e: {  	_ =	shalt  }
0x4f: {  	_ =	shalt  }
0x50: {  	_ =	shalt  }
0x51: {  	_ =	shalt  }
0x52: {  	_ =	shalt  }
0x53: {  	_ =	shalt  }
0x54: {  	_ =	shalt  }
0x55: {  	_ =	shalt  }
0x56: {  	_ =	shalt  }
0x57: {  	_ =	shalt  }
0x58: {  	_ =	shalt  }
0x59: {  	_ =	shalt  }
0x5a: {  	_ =	shalt  }
0x5b: {  	_ =	shalt  }
0x5c: {  	_ =	shalt  }
0x5d: {  	_ =	shalt  }
0x5e: {  	_ =	shalt  }
0x5f: {  	_ =	shalt  }
0x60: {  	_ =	shalt  }
0x61: {  	_ =	shalt  }
0x62: {  	_ =	shalt  }
0x63: {  	_ =	shalt  }
0x64: {  	_ =	shalt  }
0x65: {  	_ =	shalt  }
0x66: {  	_ =	shalt  }
0x67: {  	_ =	shalt  }
0x68: {  	_ =	shalt  }
0x69: {  	_ =	shalt  }
0x6a: {  	_ =	shalt  }
0x6b: {  	_ =	shalt  }
0x6c: {  	_ =	shalt  }
0x6d: {  	_ =	shalt  }
0x6e: {  	_ =	shalt  }
0x6f: {  	_ =	shalt  }
0x70: {  	_ =	shalt  }
0x71: {  	_ =	shalt  }
0x72: {  	_ =	shalt  }
0x73: {  	_ =	shalt  }
0x74: {  	_ =	shalt  }
0x75: {  	_ =	shalt  }
0x76: {  	_ =	shalt  }
0x77: {  	_ =	shalt  }
0x78: {  	_ =	shalt  }
0x79: {  	_ =	shalt  }
0x7a: {  	_ =	shalt  }
0x7b: {  	_ =	shalt  }
0x7c: {  	_ =	shalt  }
0x7d: {  	_ =	shalt  }
0x7e: {  	_ =	shalt  }
0x7f: {  	_ =	shalt  }
0x80: {  	_ =	shalt  }
0x81: {  	_ =	shalt  }
0x82: {  	_ =	shalt  }
0x83: {  	_ =	shalt  }
0x84: {  	_ =	shalt  }
0x85: {  	_ =	shalt  }
0x86: {  	_ =	shalt  }
0x87: {  	_ =	shalt  }
.Lfunc_end0:
.L_simem_size_0:
called_computation_lowered:
.L_overlay_start_0:
0x88: {  	s2 =	sld [smem:$0x3FD9]  }
0x89: {  	s3 =	sld [smem:$0x3FFE];
	_ =	sdelay $0x1  }
0x8a: {  	s1 =	srdreg.scid  }
0x8b: {  	s0 =	sand.u32 $0x1, s1  }
0x8c: {  	s17 =	sshll.u32 s0, $0xA;
	s2 =	sadd.s32 s3, s2  }
0x8d: {  	s2 =	sadd.s32 s2, s17  }
0x8e: {  	[smem:$0x3FC6] =	sst s2  }
0x8f: {  	_ = 	snop  }
0x90: {  	s2 =	sld [smem:$0x3FC9]  }
0x91: {  	s18 =	sld [smem:$0x3FC8];
	(tm) =	ssettm $0x1  }
0x92: {  	s4 =	sld [smem:$0x3FFB];
	_ =	sdelay $0x3  }
0x93: {  	_ =	strace s4  }
0x94: {  	s4 =	sld [smem:$0x3FFC];
	_ =	sdelay $0x3  }
0x95: {  	_ =	strace s4  }
0x96: {  	s4 =	sld [smem:$0x3FFD];
	_ =	sdelay $0x3  }
0x97: {  	_ =	strace s4  }
0x98: {  	_ =	strace $0x8FFFFFFF  }
0x99: {  	s19 =	sld [smem:$0x3FDB];
	_ =	sdelay $0x1  }
0x9a: {  	s5 =	simm.s32 $_scs_section_size  }
0x9b: {  	s6 =	simm.s32 $_size__tile_overlayer_lowered;
	s7 =	simm.s32 $_tile_overlayer_lowered  }
0x9c: {  	s22 =	simm.s32 $0x1BFF;
	s21 =	sshll.u32 s7, $0x1;
	s4 =	sadd.s32 s5, s19  }
0x9d: {  	s8 =	simm.s32 $0x0;
	s20 =	sshll.u32 s6, $0x1;
	s6 =	sadd.s32 s21, s4  }
0x9e: {  	[timem:s8], [sflag:s22] =	dma.local [hbm:s6], s20  }
0x9f: {  	_ =	swait.ge [sflag:s22], s20  }
0xa0: {  	s5 =	ssub.s32 $0x0, s20;
	[sflag:s22] =	ssyncset.done $0x0  }
0xa1: {  	[sflag:s22] =	ssyncadd.s32 s5;
	_ =	sdelay $0x1  }
0xa2: {  	s23 =	simm.s32 $0x1B8B  }
0xa3: {  	_ =	swait.ge [sflag:s23], $0x1  }
0xa4: {  	[sflag:s23] =	ssyncset.done $0x0  }
0xa5: {  	s25 =	simm.s32 $0x1B8E;
	s24 =	sld [smem:$0x3FFE];
	[sflag:s23] =	ssyncadd.s32 $0xFFFFFFFF  }
0xa6: {  	s26 =	simm.s32 $execute0_lowered;
	[smem:$0x3FD2] =	sst s25  }
0xa7: {  	s6 =	sshll.u32 s26, $0x1;
	_ =	strace $0x80000046;
	[dreg:$0x1] =	wrdreg $0xFFFFFFFF  }
0xa8: {  	s28 =	simm.s32 $_size_execute0_lowered;
	s4 =	sadd.s32 s4, s6;
	[dreg:$0x0] =	wrdreg $0x0  }
0xa9: {  	s6 =	sshll.u32 s28, $0x1;
	[dreg:$0x2] =	wrdreg s4  }
0xaa: {  	[dreg:$0x3] =	wrdreg s6  }
0xab: {  	[dreg:$0x4] =	wrdreg $0xC0  }
0xac: {  	_ =	task [dreg:s8], $0x5FFFF  }
0xad: {  	[dreg:$0x1] =	wrdreg $0xFFFFFFFF  }
0xae: {  	[dreg:$0x0] =	wrdreg $0x60  }
0xaf: {  	[dreg:$0x2] =	wrdreg s2  }
0xb0: {  	[dreg:$0x3] =	wrdreg s18  }
0xb1: {  	[dreg:$0x4] =	wrdreg s24  }
0xb2: {  	[dreg:$0x5] =	wrdreg $0x9  }
0xb3: {  	_ =	task.clear_ibuf [dreg:s8], $0x6FFFF;
	_ =	strace $0x90000046  }
0xb4: {  	s29 =	simm.s32 $0x9;
	_ =	strace $0x80000048  }
0xb5: {  	_ =	swait.ge [sflag:s29], $0x1  }
0xb6: {  	[sflag:s29] =	ssyncadd.s32 $0xFFFFFFFF  }
0xb7: {  	_ =	strace $0x90000048  }
0xb8: {  	_ =	sfence  }
0xb9: {  	s30 =	sld [smem:$0x0];
	_ =	sdelay $0x2  }
0xba: {  	s31 =	sshll.u32 s1, $0xD;
	s1 =	sshrl.u32 s1, $0x2  }
0xbb: {  	s3 =	sand.u32 $0x4000, s31;
	s1 =	sadd.s32 s1, s30  }
0xbc: {  	s0 =	sor.u32 s3, s0;
	s1 =	sshll.u32 s1, $0x11  }
0xbd: {  	s0 =	sor.u32 s1, s0  }
0xbe: {  	s0 =	sadd.s32 $0x8F2B, s0  }
0xbf: {  	[sflag:s0] =	ssyncadd.remote.s32 $0x1  }
0xc0: {  	_ =	sfence.sel $0xFFFF  }
0xc1: {  	[dreg:$0x0] =	wrdreg $0xFFFFFFFF;
	(pc) =	sbr.abs _section_cstart, $3  }
0xc2: {  	[dreg:$0x1] =	wrdreg $0xFFFFFFFF  }
0xc3: {  	_ =	task.clear_ibuf [dreg:s8], $0x2FFFF;
	_ =	strace $0x9FFFFFFF  }
0xc4: {  	(tm) =	ssettm $0x7FFFFFFF  }
0xc5: {  	_ =	shalt  }
tec
execute0_lowered:
.L_overlay_start_1:
0x0: {  	(tag) =	ssettag $0x1  }
0x1: {  	s1 =	rddreg [dreg:$0x0]  }
0x2: {  	s3 =	rddreg [dreg:$0x1]  }
0x3: {  	s0 =	srdreg.scid;
	s6 =	stileid.u32  }
0x4: {  	s2 =	rddreg [dreg:$0x2];
	s0 =	sand.u32 $0x1, s0;
	s4 =	sshll.u32 s6, $0x1  }
0x5: {  	s6 =	sshrl.u32 s6, $0x2;
	s5 =	sor.u32 s0, s4;
	s4 =	simm.s32 $0x0  }
0x6: {  	s7 =	smul.u32 $0x54000, s6;
	s0 =	ssub.s32 $0x2, s0;
	s8 =	sshll.u32 s5, $0x7  }
0x7: {  	[smem:$0x7FF] =	sst s4;
	s12 =	sand.u32 $0x7, s5;
	s5 =	smul.u32 $0x540000, s6  }
0x8: {  	s9 =	sshrl.u32 s0, $0x1;
	s6 =	sshll.u32 s6, $0x12;
	s8 =	sand.u32 $0x380, s8  }
0x9: {  	_ =	strace $0x80000047;
	s13 =	sshll.u32 s12, $0xF;
	s0 =	ssub.s32 s0, s9  }
0xa: {  	s7 =	sor.u32 s7, s8;
	s10 =	sor.u32 s5, s13;
	s15 =	sor.u32 s6, s13  }
0xb: {  	s0 =	smax.u32 s0, $0x1;
	s7 =	sshrl.u32 s7, $0x3;
	s16 =	sshrl.u32 s15, $0x3  }
0xc: {  	s14 =	sshrl.u32 s10, $0x3;
	[dreg:$0x8] =	wrdreg s0;
	s8 =	sadd.s32 s3, s16  }
0xd: {  	s2 =	sadd.s32 s7, s2;
	s9 =	sadd.s32 s1, s14;
	[dreg:$0x6] =	wrdreg s8  }
0xe: {  	s28 =	simm.s32 $0x4200;
	s2 =	sadd.s32 $0x400, s2;
	[dreg:$0x5] =	wrdreg s9  }
0xf: {  	s29 =	simm.s32 $0x4600;
	s17 =	sadd.s32 $0x80, s9;
	[dreg:$0x7] =	wrdreg s2  }
0x10: {  	s30 =	simm.s32 $0x4A00;
	s18 =	sadd.s32 $0x100, s9;
	[dreg:$0x9] =	wrdreg s17  }
0x11: {  	s11 =	simm.s32 $0x5600;
	s19 =	sadd.s32 $0x180, s9;
	[dreg:$0xa] =	wrdreg s18  }
0x12: {  	s13 =	simm.s32 $0x5E00;
	s20 =	sadd.s32 $0x40000, s9;
	[dreg:$0xb] =	wrdreg s19  }
0x13: {  	s10 =	simm.s32 $0x5200;
	s21 =	sadd.s32 $0x40080, s9;
	[dreg:$0xc] =	wrdreg s20  }
0x14: {  	v0 =	vimm.s32 $0x0;
	s15 =	simm.s32 $0x1;
	s22 =	sadd.s32 $0x40100, s9;
	[dreg:$0xd] =	wrdreg s21  }
0x15: {  	v1 =	vimm.s32 $0x1;
	v2 =	vimm.s32 $0x400;
	v3 =	vimm.s32 $0x800;
	s7 =	sshll.u32 s12, $0x6;
	s23 =	sadd.s32 $0x40180, s9;
	[dreg:$0xe] =	wrdreg s22  }
0x16: {  	v4 =	vimm.s32 $0xC00;
	v5 =	vimm.s32 $0x1000;
	v6 =	vimm.s32 $0x1400;
	s12 =	simm.s32 $0x5A00;
	s24 =	sadd.s32 $0x80000, s9;
	[dreg:$0xf] =	wrdreg s23  }
0x17: {  	v7 =	vimm.s32 $0x1800;
	v8 =	vimm.s32 $0x1C00;
	v9 =	vimm.s32 $0x2000;
	s14 =	simm.s32 $0x6200;
	s25 =	sadd.s32 $0x80080, s9;
	[dreg:$0x10] =	wrdreg s24  }
0x18: {  	v10 =	vimm.s32 $0x2400;
	v11 =	vimm.s32 $0x2800;
	v12 =	vimm.s32 $0x2C00;
	s16 =	simm.s32 $0x6400;
	s26 =	sadd.s32 $0x80100, s9;
	[dreg:$0x11] =	wrdreg s25  }
0x19: {  	v13 =	vimm.s32 $0x3000;
	v14 =	vimm.s32 $0x3400;
	v15 =	vimm.s32 $0x3800;
	s31 =	sadd.s32 $0x80180, s9;
	s9 =	simm.s32 $0x4E00;
	[dreg:$0x12] =	wrdreg s26  }
0x1a: {  	v16 =	vimm.s32 $0x3C00;
	v17 =	vimm.s32 $0x4000;
	v18 =	vimm.s32 $0x4400;
	[dreg:$0x13] =	wrdreg s31;
	s23 =	simm.s32 $0x80;
	s24 =	simm.s32 $0x40000  }
0x1b: {  	v19 =	vimm.s32 $0x4800;
	v20 =	vimm.s32 $0x4C00;
	v21 =	vimm.s32 $0x5000;
	s25 =	simm.s32 $0x400;
	s26 =	simm.s32 $0x3E00;
	s17 =	simm.s32 $0x2  }
.LBB2_1:
0x1c: {  	[dreg:$0x4] =	wrdreg s4;
	s8 =	simm.s32 $0x40;
	s18 =	simm.s32 $0x0  }
.LBB2_2:
0x1d: {  	p0 =	sne.s32 s8, $0x29FC0;
	[tilespmem:s18+$0x6400] =	vst v0;
	s18 =	smov.u32 s8;
	s8 =	sadd.s32 $0x40, s8  }
.Ltmp0:
0x1e: {  	(pc) =	sbr.rel @p0 .LBB2_2-.Ltmp0, $2  }
0x1f: {  	_ =	sdelay $0x2  }
0x20: {  	s18 =	sshra.s32 s18, $0x2  }
0x21: {  	[tilespmem:s18+$0x6400] =	vst v0;
	s19 =	simm.s32 $0x0;
	s0 =	rddreg [dreg:$0x5]  }
0x22: {  	[tilespmem:s19], [sflag:$0x1] =	stream.strided.gather [hbm4b:s0+s23], $0x400, s24, s23, $0x38;
	[tilespmem:$0x10C00] =	vst v63  }
0x23: {  	s8 =	rddreg [dreg:$0x9]  }
0x24: {  	[tilespmem:s25], [sflag:$0x1] =	stream.strided.gather [hbm4b:s8+s23], $0x400, s24, s23, $0x38;
	[tilespmem:$0x10C00] =	vst v63  }
0x25: {  	s18 =	rddreg [dreg:$0xa];
	s2 =	simm.s32 $0x800  }
0x26: {  	[tilespmem:s2], [sflag:$0x1] =	stream.strided.gather [hbm4b:s18+s23], $0x400, s24, s23, $0x38;
	[tilespmem:$0x10C00] =	vst v63  }
0x27: {  	s20 =	rddreg [dreg:$0xb];
	s21 =	simm.s32 $0xC00  }
0x28: {  	[tilespmem:s21], [sflag:$0x1] =	stream.strided.gather [hbm4b:s20+s23], $0x400, s24, s23, $0x38;
	[tilespmem:$0x10C00] =	vst v63  }
0x29: {  	s22 =	rddreg [dreg:$0xc];
	s31 =	simm.s32 $0x1000  }
0x2a: {  	[tilespmem:s31], [sflag:$0x1] =	stream.strided.gather [hbm4b:s22+s23], $0x400, s24, s23, $0x38;
	[tilespmem:$0x10C00] =	vst v63  }
0x2b: {  	s4 =	simm.s32 $0x1400;
	s2 =	rddreg [dreg:$0xd]  }
0x2c: {  	[tilespmem:s4], [sflag:$0x1] =	stream.strided.gather [hbm4b:s2+s23], $0x400, s24, s23, $0x38;
	[tilespmem:$0x10C00] =	vst v63  }
0x2d: {  	s8 =	rddreg [dreg:$0xe];
	s18 =	simm.s32 $0x1800  }
0x2e: {  	[tilespmem:s18], [sflag:$0x1] =	stream.strided.gather [hbm4b:s8+s23], $0x400, s24, s23, $0x38;
	[tilespmem:$0x10C00] =	vst v63  }
0x2f: {  	s20 =	rddreg [dreg:$0xf];
	s21 =	simm.s32 $0x1C00  }
0x30: {  	[tilespmem:s21], [sflag:$0x1] =	stream.strided.gather [hbm4b:s20+s23], $0x400, s24, s23, $0x38;
	[tilespmem:$0x10C00] =	vst v63  }
0x31: {  	s22 =	rddreg [dreg:$0x10];
	s31 =	simm.s32 $0x2000  }
0x32: {  	[tilespmem:s31], [sflag:$0x1] =	stream.strided.gather [hbm4b:s22+s23], $0x280, s24, s23, $0x38;
	[tilespmem:$0x10C00] =	vst v63  }
0x33: {  	s2 =	rddreg [dreg:$0x11];
	s4 =	simm.s32 $0x2400  }
0x34: {  	[tilespmem:s4], [sflag:$0x1] =	stream.strided.gather [hbm4b:s2+s23], $0x280, s24, s23, $0x38;
	[tilespmem:$0x10C00] =	vst v63  }
0x35: {  	s8 =	rddreg [dreg:$0x12];
	s18 =	simm.s32 $0x2800  }
0x36: {  	[tilespmem:s18], [sflag:$0x1] =	stream.strided.gather [hbm4b:s8+s23], $0x280, s24, s23, $0x38;
	[tilespmem:$0x10C00] =	vst v63  }
0x37: {  	s20 =	rddreg [dreg:$0x13];
	s21 =	simm.s32 $0x2C00  }
0x38: {  	[tilespmem:s21], [sflag:$0x1] =	stream.strided.gather [hbm4b:s20+s23], $0x280, s24, s23, $0x38;
	[tilespmem:$0x10C00] =	vst v63  }
0x39: {  	s22 =	rddreg [dreg:$0x6];
	s31 =	simm.s32 $0x3000  }
0x3a: {  	[tilespmem:s31], [sflag:$0x1] =	stream.strided.gather [hbm4b:s22+s23], $0x200, s25, s23, $0x38;
	[tilespmem:$0x10C00] =	vst v63  }
.LBB2_4:
0x3b: {  	s20 =	sshll.u32 s19, $0x1  }
0x3c: {  	s8 =	sadd.s32 s7, s20  }
0x3d: {  	s18 =	sshll.u32 s19, $0x8;
	s8 =	sshll.u32 s8, $0x9  }
0x3e: {  	s18 =	sand.u32 $0x300, s18;
	s8 =	sand.u32 $0x3F000, s8  }
0x3f: {  	s8 =	sor.u32 s8, s18  }
0x40: {  	s8 =	sor.u32 $0x80, s8  }
0x41: {  	s2 =	sor.u32 s5, s8  }
0x42: {  	s18 =	sshrl.u32 s2, $0x3  }
0x43: {  	s0 =	simm.s32 $0x3200;
	s18 =	sadd.s32 s1, s18  }
0x44: {  	[tilespmem:s0], [sflag:$0x2] =	stream.strided.gather [hbm4b:s18+s23], $0x400, s24, s23, $0x38;
	[tilespmem:$0x10C00] =	vst v63  }
0x45: {  	s4 =	simm.s32 $0x3600;
	s21 =	sadd.s32 $0x80, s18  }
0x46: {  	[tilespmem:s4], [sflag:$0x2] =	stream.strided.gather [hbm4b:s21+s23], $0x400, s24, s23, $0x38;
	[tilespmem:$0x10C00] =	vst v63  }
0x47: {  	s31 =	simm.s32 $0x3A00;
	s22 =	sadd.s32 $0x100, s18  }
0x48: {  	[tilespmem:s31], [sflag:$0x2] =	stream.strided.gather [hbm4b:s22+s23], $0x400, s24, s23, $0x38;
	[tilespmem:$0x10C00] =	vst v63  }
0x49: {  	s0 =	sadd.s32 $0x180, s18  }
0x4a: {  	[tilespmem:s26], [sflag:$0x2] =	stream.strided.gather [hbm4b:s0+s23], $0x400, s24, s23, $0x38;
	[tilespmem:$0x10C00] =	vst v63  }
0x4b: {  	s2 =	sadd.s32 $0x40000, s18  }
0x4c: {  	[tilespmem:s28], [sflag:$0x2] =	stream.strided.gather [hbm4b:s2+s23], $0x400, s24, s23, $0x38;
	[tilespmem:$0x10C00] =	vst v63  }
0x4d: {  	s22 =	sadd.s32 $0x80, s2  }
0x4e: {  	[tilespmem:s29], [sflag:$0x2] =	stream.strided.gather [hbm4b:s22+s23], $0x400, s24, s23, $0x38;
	[tilespmem:$0x10C00] =	vst v63  }
0x4f: {  	s4 =	sadd.s32 $0x100, s2  }
0x50: {  	[tilespmem:s30], [sflag:$0x2] =	stream.strided.gather [hbm4b:s4+s23], $0x400, s24, s23, $0x38;
	[tilespmem:$0x10C00] =	vst v63  }
0x51: {  	s21 =	sadd.s32 $0x180, s2  }
0x52: {  	[tilespmem:s9], [sflag:$0x2] =	stream.strided.gather [hbm4b:s21+s23], $0x400, s24, s23, $0x38;
	[tilespmem:$0x10C00] =	vst v63  }
0x53: {  	s18 =	sadd.s32 $0x80000, s18  }
0x54: {  	[tilespmem:s10], [sflag:$0x2] =	stream.strided.gather [hbm4b:s18+s23], $0x280, s24, s23, $0x38;
	[tilespmem:$0x10C00] =	vst v63  }
0x55: {  	s22 =	sadd.s32 $0x80, s18  }
0x56: {  	[tilespmem:s11], [sflag:$0x2] =	stream.strided.gather [hbm4b:s22+s23], $0x280, s24, s23, $0x38;
	[tilespmem:$0x10C00] =	vst v63  }
0x57: {  	s8 =	sor.u32 s6, s8;
	s31 =	sadd.s32 $0x100, s18  }
0x58: {  	[tilespmem:s12], [sflag:$0x2] =	stream.strided.gather [hbm4b:s31+s23], $0x280, s24, s23, $0x38;
	[tilespmem:$0x10C00] =	vst v63  }
0x59: {  	s8 =	sshrl.u32 s8, $0x3;
	s18 =	sadd.s32 $0x180, s18  }
0x5a: {  	[tilespmem:s13], [sflag:$0x2] =	stream.strided.gather [hbm4b:s18+s23], $0x280, s24, s23, $0x38;
	[tilespmem:$0x10C00] =	vst v63  }
0x5b: {  	s8 =	sadd.s32 s3, s8  }
0x5c: {  	[tilespmem:s14], [sflag:$0x2] =	stream.strided.gather [hbm4b:s8+s23], $0x200, s25, s23, $0x38;
	[tilespmem:$0x10C00] =	vst v63  }
0x5d: {  	_ =	swait.ge [sflag:s15], $0x2A00  }
0x5e: {  	[sflag:s15] =	ssyncset.done $0x0  }
0x5f: {  	[sflag:s15] =	ssyncadd.s32 $0xFFFFD600  }
0x60: {  	_ =	swait.ge [sflag:s15], $0x200  }
0x61: {  	s21 =	simm.s32 $0x3000;
	[sflag:s15] =	ssyncset.done $0x0  }
0x62: {  	s22 =	simm.s32 $0x0;
	s8 =	simm.s32 $0x0;
	[sflag:s15] =	ssyncadd.s32 $0xFFFFFE00  }
.LBB2_5:
0x63: {  	s18 =	sand.u32 $0x70, s8;
	s4 =	sand.u32 $0xC00, s22  }
0x64: {  	s18 =	sor.u32 s18, s4  }
0x65: {  	v22 =	vld [tilespmem:s18+$0x0]  }
0x66: {  	v23 =	vld [tilespmem:s18+$0x80]  }
0x67: {  	v24 =	vld [tilespmem:s18+$0x100]  }
0x68: {  	v25 =	vld [tilespmem:s18+$0x180]  }
0x69: {  	v26 =	vld [tilespmem:s18+$0x200]  }
0x6a: {  	s31 =	sor.u32 s22, s8;
	v27 =	vld [tilespmem:s18+$0x280];
	v22 =	vmul.f32 $1.442695020e+00, v22  }
0x6b: {  	s4 =	sor.u32 $0x380, s31;
	v28 =	vld [tilespmem:s18+$0x300];
	v23 =	vmul.f32 $1.442695020e+00, v23  }
0x6c: {  	v49 =	vld [tilespmem:s4+$0x0];
	(erf) = vpow2.f32 v22;
	v22 =	vmul.f32 $1.442695020e+00, v24  }
0x6d: {  	v50 =	vld [tilespmem:s18+$0x1000];
	(erf) = vpow2.f32 v23;
	v23 =	vmul.f32 $1.442695020e+00, v25  }
0x6e: {  	v51 =	vld [tilespmem:s18+$0x1080];
	(erf) = vpow2.f32 v22;
	v22 =	vmul.f32 $1.442695020e+00, v26  }
0x6f: {  	v52 =	vld [tilespmem:s18+$0x1100];
	(erf) = vpow2.f32 v23;
	v23 =	vmul.f32 $1.442695020e+00, v27  }
0x70: {  	v53 =	vld [tilespmem:s18+$0x1180];
	(erf) = vpow2.f32 v22;
	v22 =	vmul.f32 $1.442695020e+00, v28  }
0x71: {  	v54 =	vld [tilespmem:s18+$0x1200];
	(erf) = vpow2.f32 v23;
	v23 =	vmul.f32 $1.442695020e+00, v49  }
0x72: {  	v55 =	vld [tilespmem:s18+$0x1280];
	(erf) = vpow2.f32 v22;
	v22 =	vmul.f32 $1.442695020e+00, v50  }
0x73: {  	v56 =	vld [tilespmem:s18+$0x1300];
	(erf) = vpow2.f32 v23;
	v23 =	vmul.f32 $1.442695020e+00, v51  }
0x74: {  	v57 =	vld [tilespmem:s18+$0x1380];
	(erf) = vpow2.f32 v22;
	v22 =	vmul.f32 $1.442695020e+00, v52  }
0x75: {  	v58 =	vld [tilespmem:s18+$0x2000];
	v30 =	vpop (erf);
	(erf) = vpow2.f32 v23;
	v23 =	vmul.f32 $1.442695020e+00, v53  }
0x76: {  	v59 =	vld [tilespmem:s18+$0x2080];
	v31 =	vpop (erf);
	(erf) = vpow2.f32 v22;
	v22 =	vmul.f32 $1.442695020e+00, v54  }
0x77: {  	v60 =	vld [tilespmem:s18+$0x2100];
	v32 =	vpop (erf);
	(erf) = vpow2.f32 v23;
	v23 =	vmul.f32 $1.442695020e+00, v55  }
0x78: {  	v33 =	vpop (erf);
	(erf) = vpow2.f32 v22;
	v22 =	vmul.f32 $1.442695020e+00, v56  }
0x79: {  	v34 =	vpop (erf);
	(erf) = vpow2.f32 v23;
	v23 =	vmul.f32 $1.442695020e+00, v57  }
0x7a: {  	v61 =	vld [tilespmem:s18+$0x2180];
	v35 =	vpop (erf);
	(erf) = vpow2.f32 v22;
	v22 =	vmul.f32 $1.442695020e+00, v58  }
0x7b: {  	v36 =	vpop (erf);
	(erf) = vpow2.f32 v23;
	v23 =	vmul.f32 $1.442695020e+00, v59  }
0x7c: {  	v37 =	vpop (erf);
	(erf) = vpow2.f32 v22;
	v22 =	vmul.f32 $1.442695020e+00, v60  }
0x7d: {  	v38 =	vpop (erf);
	(erf) = vpow2.f32 v23  }
0x7e: {  	v39 =	vpop (erf);
	(erf) = vpow2.f32 v22;
	v22 =	vld [tilespmem:s18+$0x2200]  }
0x7f: {  	v23 =	vmul.f32 $1.442695020e+00, v61;
	_ =	sdelay $0x1  }
0x80: {  	v40 =	vpop (erf);
	(erf) = vpow2.f32 v23  }
0x81: {  	v41 =	vpop (erf)  }
0x82: {  	v42 =	vpop (erf);
	v22 =	vmul.f32 $1.442695020e+00, v22  }
0x83: {  	v43 =	vpop (erf)  }
0x84: {  	v63 =	vadd.f32 v35, v34;
	v45 =	vadd.f32 v37, v36;
	v44 =	vpop (erf);
	(erf) = vpow2.f32 v22  }
0x85: {  	v62 =	vadd.f32 v33, v32;
	v46 =	vadd.f32 v39, v38;
	v29 =	vpop (erf)  }
0x86: {  	v54 =	vadd.f32 v45, v63;
	v47 =	vadd.f32 v41, v40;
	v28 =	vpop (erf)  }
0x87: {  	v48 =	vadd.f32 v43, v42;
	v22 =	vadd.f32 v31, v30;
	v26 =	vpop (erf)  }
0x88: {  	v55 =	vadd.f32 v47, v46;
	v49 =	vadd.f32 v29, v44;
	v25 =	vpop (erf)  }
0x89: {  	v50 =	vadd.f32 v26, v28;
	v22 =	vadd.f32 v62, v22;
	v23 =	vpop (erf)  }
0x8a: {  	v56 =	vadd.f32 v49, v48;
	v51 =	vadd.f32 v23, v25  }
0x8b: {  	v22 =	vadd.f32 v54, v22  }
0x8c: {  	v27 =	vadd.f32 v56, v55;
	v57 =	vadd.f32 v51, v50  }
0x8d: {  	v24 =	vpop (erf)  }
0x8e: {  	v22 =	vadd.f32 v27, v22;
	v58 =	vadd.f32 v57, v24;
	_ =	sdelay $0x1  }
0x8f: {  	v22 =	vadd.f32 v58, v22;
	_ =	sdelay $0x1  }
0x90: {  	(erf) = vrcp.f32 v22;
	_ =	sdelay $0x8  }
0x91: {  	v22 =	vpop (erf)  }
0x92: {  	v27 =	vmul.f32 $1.024000000e+03, v22;
	_ =	sdelay $0x1  }
0x93: {  	v30 =	vmul.f32 v27, v30  }
0x94: {  	v31 =	vmul.f32 v27, v31;
	v32 =	vmul.f32 v27, v32  }
0x95: {  	v33 =	vmul.f32 v27, v33;
	v34 =	vmul.f32 v27, v34  }
0x96: {  	v35 =	vmul.f32 v27, v35;
	v36 =	vmul.f32 v27, v36  }
0x97: {  	v37 =	vmul.f32 v27, v37;
	v38 =	vmul.f32 v27, v38  }
0x98: {  	v39 =	vmul.f32 v27, v39;
	v40 =	vmul.f32 v27, v40  }
0x99: {  	v41 =	vmul.f32 v27, v41;
	v42 =	vmul.f32 v27, v42  }
0x9a: {  	v43 =	vmul.f32 v27, v43;
	v44 =	vmul.f32 v27, v44  }
0x9b: {  	v29 =	vmul.f32 v27, v29;
	v28 =	vmul.f32 v27, v28  }
0x9c: {  	v26 =	vmul.f32 v27, v26;
	v25 =	vmul.f32 v27, v25  }
0x9d: {  	v23 =	vmul.f32 v27, v23;
	v24 =	vmul.f32 v27, v24  }
0x9e: {  	v30 =	vmin.f32 v30, $1.023500000e+03;
	v31 =	vmin.f32 v31, $1.023500000e+03;
	v32 =	vmin.f32 v32, $1.023500000e+03  }
0x9f: {  	v33 =	vmin.f32 v33, $1.023500000e+03;
	v34 =	vmin.f32 v34, $1.023500000e+03;
	v35 =	vmin.f32 v35, $1.023500000e+03  }
0xa0: {  	v22 =	vld [tilespmem:s21+$0x0];
	v36 =	vmin.f32 v36, $1.023500000e+03;
	v37 =	vmin.f32 v37, $1.023500000e+03;
	v38 =	vmin.f32 v38, $1.023500000e+03  }
0xa1: {  	v39 =	vmin.f32 v39, $1.023500000e+03;
	v40 =	vmin.f32 v40, $1.023500000e+03;
	v41 =	vmin.f32 v41, $1.023500000e+03  }
0xa2: {  	v42 =	vmin.f32 v42, $1.023500000e+03;
	v43 =	vmin.f32 v43, $1.023500000e+03;
	v44 =	vmin.f32 v44, $1.023500000e+03  }
0xa3: {  	v29 =	vmin.f32 v29, $1.023500000e+03;
	v28 =	vmin.f32 v28, $1.023500000e+03;
	v26 =	vmin.f32 v26, $1.023500000e+03  }
0xa4: {  	v25 =	vmin.f32 v25, $1.023500000e+03;
	v23 =	vmin.f32 v23, $1.023500000e+03;
	v24 =	vmin.f32 v24, $1.023500000e+03  }
0xa5: {  	v30 =	vtrunc.f32 v30;
	vm0 =	veq.s32 v22, $0x0;
	v31 =	vtrunc.f32 v31  }
0xa6: {  	vm8 =	veq.s32 v22, $0x1;
	v32 =	vtrunc.f32 v32;
	vm9 =	veq.s32 v22, $0x2  }
0xa7: {  	v33 =	vtrunc.f32 v33;
	vm10 =	veq.s32 v22, $0x3;
	v34 =	vtrunc.f32 v34  }
0xa8: {  	vm11 =	veq.s32 v22, $0x4;
	v35 =	vtrunc.f32 v35;
	vm12 =	veq.s32 v22, $0x5  }
0xa9: {  	v36 =	vtrunc.f32 v36;
	vm13 =	veq.s32 v22, $0x6;
	v37 =	vtrunc.f32 v37  }
0xaa: {  	vm14 =	veq.s32 v22, $0x7;
	v38 =	vtrunc.f32 v38;
	v39 =	vtrunc.f32 v39  }
0xab: {  	vm15 =	veq.s32 v22, $0x8;
	v40 =	vtrunc.f32 v40;
	v41 =	vtrunc.f32 v41  }
0xac: {  	vm4 =	veq.s32 v22, $0x9;
	v42 =	vtrunc.f32 v42;
	v43 =	vtrunc.f32 v43  }
0xad: {  	vm5 =	veq.s32 v22, $0xA;
	v44 =	vtrunc.f32 v44;
	v29 =	vtrunc.f32 v29  }
0xae: {  	vm6 =	veq.s32 v22, $0xB;
	v28 =	vtrunc.f32 v28;
	v26 =	vtrunc.f32 v26  }
0xaf: {  	vm7 =	veq.s32 v22, $0xC;
	v25 =	vtrunc.f32 v25;
	v23 =	vtrunc.f32 v23  }
0xb0: {  	v24 =	vtrunc.f32 v24;
	v30 =	vcvt.f32.s32 v30;
	v59 =	vsel vm0, $0x5400, v0  }
0xb1: {  	v31 =	vcvt.f32.s32 v31;
	v60 =	vsel vm8, $0x5800, v2;
	v32 =	vcvt.f32.s32 v32  }
0xb2: {  	v61 =	vsel vm9, $0x5C00, v3;
	v33 =	vcvt.f32.s32 v33;
	v62 =	vsel vm10, $0x6000, v4  }
0xb3: {  	v34 =	vcvt.f32.s32 v34;
	v63 =	vsel vm11, $0x6400, v5;
	v35 =	vcvt.f32.s32 v35  }
0xb4: {  	v48 =	vsel vm12, $0x6800, v6;
	v36 =	vcvt.f32.s32 v36;
	v30 =	vadd.s32 v30, v59  }
0xb5: {  	v49 =	vsel vm13, $0x6C00, v7;
	v37 =	vcvt.f32.s32 v37;
	v31 =	vadd.s32 v31, v60  }
0xb6: {  	v50 =	vsel vm14, $0x7000, v8;
	v38 =	vcvt.f32.s32 v38;
	v32 =	vadd.s32 v32, v61  }
0xb7: {  	v51 =	vsel vm15, $0x7400, v9;
	v39 =	vcvt.f32.s32 v39;
	v33 =	vadd.s32 v33, v62  }
0xb8: {  	v52 =	vsel vm4, $0x7800, v10;
	v40 =	vcvt.f32.s32 v40;
	v34 =	vadd.s32 v34, v63  }
0xb9: {  	v53 =	vsel vm5, $0x7C00, v11;
	v41 =	vcvt.f32.s32 v41;
	v35 =	vadd.s32 v35, v48;
	[tilespmem:v30+s16+$0x0] =	vst.idx.add.s32.msk $0xffff, v1  }
0xba: {  	v54 =	vsel vm6, $0x8000, v12;
	v42 =	vcvt.f32.s32 v42;
	v36 =	vadd.s32 v36, v49;
	[tilespmem:v31+s16+$0x0] =	vst.idx.add.s32.msk $0xffff, v1  }
0xbb: {  	v55 =	vsel vm7, $0x8400, v13;
	vm8 =	veq.s32 v22, $0xD;
	v37 =	vadd.s32 v37, v50;
	[tilespmem:v32+s16+$0x0] =	vst.idx.add.s32.msk $0xffff, v1  }
0xbc: {  	v43 =	vcvt.f32.s32 v43;
	v44 =	vcvt.f32.s32 v44;
	v38 =	vadd.s32 v38, v51;
	[tilespmem:v33+s16+$0x0] =	vst.idx.add.s32.msk $0xffff, v1  }
0xbd: {  	vm9 =	veq.s32 v22, $0xE;
	v29 =	vcvt.f32.s32 v29;
	v39 =	vadd.s32 v39, v52;
	[tilespmem:v34+s16+$0x0] =	vst.idx.add.s32.msk $0xffff, v1  }
0xbe: {  	vm10 =	veq.s32 v22, $0xF;
	v28 =	vcvt.f32.s32 v28;
	v40 =	vadd.s32 v40, v53;
	[tilespmem:v35+s16+$0x0] =	vst.idx.add.s32.msk $0xffff, v1  }
0xbf: {  	vm11 =	veq.s32 v22, $0x10;
	v26 =	vcvt.f32.s32 v26;
	v41 =	vadd.s32 v41, v54;
	[tilespmem:v36+s16+$0x0] =	vst.idx.add.s32.msk $0xffff, v1  }
0xc0: {  	vm12 =	veq.s32 v22, $0x11;
	v56 =	vsel vm8, $0x8800, v14;
	v42 =	vadd.s32 v42, v55;
	[tilespmem:v37+s16+$0x0] =	vst.idx.add.s32.msk $0xffff, v1  }
0xc1: {  	v25 =	vcvt.f32.s32 v25;
	v58 =	vsel vm9, $0x8C00, v15;
	v57 =	vadd.s32 v43, v56;
	[tilespmem:v38+s16+$0x0] =	vst.idx.add.s32.msk $0xffff, v1  }
0xc2: {  	vm13 =	veq.s32 v22, $0x12;
	v59 =	vsel vm10, $0x9000, v16;
	v31 =	vadd.s32 v44, v58;
	[tilespmem:v39+s16+$0x0] =	vst.idx.add.s32.msk $0xffff, v1  }
0xc3: {  	v23 =	vcvt.f32.s32 v23;
	v60 =	vsel vm11, $0x9400, v17;
	v29 =	vadd.s32 v29, v59;
	[tilespmem:v40+s16+$0x0] =	vst.idx.add.s32.msk $0xffff, v1  }
0xc4: {  	vm14 =	veq.s32 v22, $0x13;
	v61 =	vsel vm12, $0x9800, v18;
	v28 =	vadd.s32 v28, v60;
	[tilespmem:v41+s16+$0x0] =	vst.idx.add.s32.msk $0xffff, v1  }
0xc5: {  	v24 =	vcvt.f32.s32 v24;
	v62 =	vsel vm13, $0x9C00, v19;
	v26 =	vadd.s32 v26, v61;
	[tilespmem:v42+s16+$0x0] =	vst.idx.add.s32.msk $0xffff, v1  }
0xc6: {  	vm15 =	veq.s32 v22, $0x14;
	v63 =	vsel vm14, $0xA000, v20;
	v25 =	vadd.s32 v25, v62;
	[tilespmem:v57+s16+$0x0] =	vst.idx.add.s32.msk $0xffff, v1  }
0xc7: {  	v22 =	vadd.s32 v23, v63;
	v23 =	vsel vm15, $0xA400, v21;
	[tilespmem:v31+s16+$0x0] =	vst.idx.add.s32.msk $0xffff, v1  }
0xc8: {  	p0 =	sne.s32 s8, $0x1F0;
	v23 =	vadd.s32 v24, v23;
	[tilespmem:v29+s16+$0x0] =	vst.idx.add.s32.msk $0xffff, v1  }
.Ltmp1:
0xc9: {  	[tilespmem:v28+s16+$0x0] =	vst.idx.add.s32.msk $0xffff, v1;
	(pc) =	sbr.rel @p0 .LBB2_5-.Ltmp1, $4  }
0xca: {  	[tilespmem:v26+s16+$0x0] =	vst.idx.add.s32.msk $0xffff, v1  }
0xcb: {  	[tilespmem:v25+s16+$0x0] =	vst.idx.add.s32.msk $0xffff, v1  }
0xcc: {  	[tilespmem:v22+s16+$0x0] =	vst.idx.add.s32.msk $0xffff, v1  }
0xcd: {  	s22 =	sadd.s32 $0x80, s22;
	s8 =	sadd.s32 $0x10, s8;
	s21 =	sadd.s32 $0x10, s21;
	[tilespmem:v23+s16+$0x0] =	vst.idx.add.s32.msk $0xffff, v1  }
0xce: {  	p0 =	seq.s32 s19, $0x1F  }
0xcf: {  	s4 =	sadd.s32 @!p0 $0x2, s20  }
0xd0: {  	s8 =	sadd.s32 @!p0 s7, s4  }
0xd1: {  	s8 =	sshll.u32 @!p0 s8, $0x9  }
0xd2: {  	s4 =	sshll.u32 @!p0 s4, $0x7;
	s8 =	sand.u32 @!p0 $0x7F000, s8  }
0xd3: {  	s4 =	sand.u32 @!p0 $0x300, s4;
	s18 =	sadd.s32 @!p0 s5, s8  }
0xd4: {  	s18 =	sor.u32 @!p0 s4, s18  }
0xd5: {  	s20 =	simm.s32 @!p0 $0x80;
	s18 =	sshrl.u32 @!p0 s18, $0x3  }
0xd6: {  	s21 =	simm.s32 @!p0 $0x40000;
	s22 =	simm.s32 @!p0 $0x0;
	s18 =	sadd.s32 @!p0 s1, s18  }
0xd7: {  	[tilespmem:s22], [sflag:$0x1] =	stream.strided.gather @!p0 [hbm4b:s18+s20], $0x400, s21, s20, $0x38;
	[tilespmem:$0x10C00] =	vst v63  }
0xd8: {  	s31 =	simm.s32 @!p0 $0x400;
	s22 =	sadd.s32 @!p0 $0x80, s18  }
0xd9: {  	[tilespmem:s31], [sflag:$0x1] =	stream.strided.gather @!p0 [hbm4b:s22+s20], $0x400, s21, s20, $0x38;
	[tilespmem:$0x10C00] =	vst v63  }
0xda: {  	s2 =	simm.s32 @!p0 $0x800;
	s22 =	sadd.s32 @!p0 $0x100, s18  }
0xdb: {  	[tilespmem:s2], [sflag:$0x1] =	stream.strided.gather @!p0 [hbm4b:s22+s20], $0x400, s21, s20, $0x38;
	[tilespmem:$0x10C00] =	vst v63  }
0xdc: {  	s2 =	sadd.s32 @!p0 $0x180, s18;
	s22 =	simm.s32 @!p0 $0xC00  }
0xdd: {  	[tilespmem:s22], [sflag:$0x1] =	stream.strided.gather @!p0 [hbm4b:s2+s20], $0x400, s21, s20, $0x38;
	[tilespmem:$0x10C00] =	vst v63  }
0xde: {  	s2 =	sadd.s32 @!p0 $0x40000, s18;
	s22 =	simm.s32 @!p0 $0x1000  }
0xdf: {  	[tilespmem:s22], [sflag:$0x1] =	stream.strided.gather @!p0 [hbm4b:s2+s20], $0x400, s21, s20, $0x38;
	[tilespmem:$0x10C00] =	vst v63  }
0xe0: {  	s0 =	simm.s32 @!p0 $0x1400;
	s22 =	sadd.s32 @!p0 $0x80, s2  }
0xe1: {  	[tilespmem:s0], [sflag:$0x1] =	stream.strided.gather @!p0 [hbm4b:s22+s20], $0x400, s21, s20, $0x38;
	[tilespmem:$0x10C00] =	vst v63  }
0xe2: {  	s0 =	sadd.s32 @!p0 $0x100, s2;
	s22 =	simm.s32 @!p0 $0x1800  }
0xe3: {  	[tilespmem:s22], [sflag:$0x1] =	stream.strided.gather @!p0 [hbm4b:s0+s20], $0x400, s21, s20, $0x38;
	[tilespmem:$0x10C00] =	vst v63  }
0xe4: {  	s0 =	sadd.s32 @!p0 $0x180, s2;
	s2 =	simm.s32 @!p0 $0x1C00  }
0xe5: {  	[tilespmem:s2], [sflag:$0x1] =	stream.strided.gather @!p0 [hbm4b:s0+s20], $0x400, s21, s20, $0x38;
	[tilespmem:$0x10C00] =	vst v63  }
0xe6: {  	s0 =	sadd.s32 @!p0 $0x80000, s18;
	s2 =	simm.s32 @!p0 $0x2000  }
0xe7: {  	[tilespmem:s2], [sflag:$0x1] =	stream.strided.gather @!p0 [hbm4b:s0+s20], $0x280, s21, s20, $0x38;
	[tilespmem:$0x10C00] =	vst v63  }
0xe8: {  	s18 =	simm.s32 @!p0 $0x2400;
	s2 =	sadd.s32 @!p0 $0x80, s0  }
0xe9: {  	[tilespmem:s18], [sflag:$0x1] =	stream.strided.gather @!p0 [hbm4b:s2+s20], $0x280, s21, s20, $0x38;
	[tilespmem:$0x10C00] =	vst v63  }
0xea: {  	s2 =	sadd.s32 @!p0 $0x100, s0;
	s18 =	simm.s32 @!p0 $0x2800  }
0xeb: {  	[tilespmem:s18], [sflag:$0x1] =	stream.strided.gather @!p0 [hbm4b:s2+s20], $0x280, s21, s20, $0x38;
	[tilespmem:$0x10C00] =	vst v63  }
0xec: {  	s0 =	sadd.s32 @!p0 $0x180, s0;
	s2 =	simm.s32 @!p0 $0x2C00  }
0xed: {  	[tilespmem:s2], [sflag:$0x1] =	stream.strided.gather @!p0 [hbm4b:s0+s20], $0x280, s21, s20, $0x38;
	[tilespmem:$0x10C00] =	vst v63  }
0xee: {  	s0 =	sadd.s32 @!p0 s6, s8  }
0xef: {  	s0 =	sor.u32 @!p0 s4, s0  }
0xf0: {  	s0 =	sshrl.u32 @!p0 s0, $0x3  }
0xf1: {  	s2 =	simm.s32 @!p0 $0x3000;
	s0 =	sadd.s32 @!p0 s3, s0  }
0xf2: {  	[tilespmem:s2], [sflag:$0x1] =	stream.strided.gather @!p0 [hbm4b:s0+s20], $0x200, s31, s20, $0x38;
	[tilespmem:$0x10C00] =	vst v63  }
0xf3: {  	_ =	swait.ge [sflag:s17], $0x2A00  }
0xf4: {  	[sflag:s17] =	ssyncset.done $0x0  }
0xf5: {  	[sflag:s17] =	ssyncadd.s32 $0xFFFFD600  }
0xf6: {  	_ =	swait.ge [sflag:s17], $0x200  }
0xf7: {  	s21 =	simm.s32 $0x6200;
	[sflag:s17] =	ssyncset.done $0x0  }
0xf8: {  	s8 =	simm.s32 $0x0;
	s20 =	simm.s32 $0x0;
	[sflag:s17] =	ssyncadd.s32 $0xFFFFFE00  }
.LBB2_7:
0xf9: {  	s0 =	sand.u32 $0x70, s8;
	s2 =	sand.u32 $0xC00, s20  }
0xfa: {  	s18 =	sor.u32 s0, s2  }
0xfb: {  	v22 =	vld [tilespmem:s18+$0x3200]  }
0xfc: {  	v23 =	vld [tilespmem:s18+$0x3280]  }
0xfd: {  	v24 =	vld [tilespmem:s18+$0x3300]  }
0xfe: {  	v25 =	vld [tilespmem:s18+$0x3380]  }
0xff: {  	v26 =	vld [tilespmem:s18+$0x3400]  }
0x100: {  	s31 =	sor.u32 s20, s8;
	v27 =	vld [tilespmem:s18+$0x3480];
	v22 =	vmul.f32 $1.442695020e+00, v22  }
0x101: {  	s0 =	sor.u32 $0x380, s31;
	v28 =	vld [tilespmem:s18+$0x3500];
	v23 =	vmul.f32 $1.442695020e+00, v23  }
0x102: {  	v49 =	vld [tilespmem:s0+$0x3200];
	(erf) = vpow2.f32 v22;
	v22 =	vmul.f32 $1.442695020e+00, v24  }
0x103: {  	v50 =	vld [tilespmem:s18+$0x4200];
	(erf) = vpow2.f32 v23;
	v23 =	vmul.f32 $1.442695020e+00, v25  }
0x104: {  	v51 =	vld [tilespmem:s18+$0x4280];
	(erf) = vpow2.f32 v22;
	v22 =	vmul.f32 $1.442695020e+00, v26  }
0x105: {  	v52 =	vld [tilespmem:s18+$0x4300];
	(erf) = vpow2.f32 v23;
	v23 =	vmul.f32 $1.442695020e+00, v27  }
0x106: {  	v53 =	vld [tilespmem:s18+$0x4380];
	(erf) = vpow2.f32 v22;
	v22 =	vmul.f32 $1.442695020e+00, v28  }
0x107: {  	v54 =	vld [tilespmem:s18+$0x4400];
	(erf) = vpow2.f32 v23;
	v23 =	vmul.f32 $1.442695020e+00, v49  }
0x108: {  	v55 =	vld [tilespmem:s18+$0x4480];
	(erf) = vpow2.f32 v22;
	v22 =	vmul.f32 $1.442695020e+00, v50  }
0x109: {  	v56 =	vld [tilespmem:s18+$0x4500];
	(erf) = vpow2.f32 v23;
	v23 =	vmul.f32 $1.442695020e+00, v51  }
0x10a: {  	v57 =	vld [tilespmem:s18+$0x4580];
	(erf) = vpow2.f32 v22;
	v22 =	vmul.f32 $1.442695020e+00, v52  }
0x10b: {  	v58 =	vld [tilespmem:s18+$0x5200];
	v30 =	vpop (erf);
	(erf) = vpow2.f32 v23;
	v23 =	vmul.f32 $1.442695020e+00, v53  }
0x10c: {  	v59 =	vld [tilespmem:s18+$0x5280];
	v31 =	vpop (erf);
	(erf) = vpow2.f32 v22;
	v22 =	vmul.f32 $1.442695020e+00, v54  }
0x10d: {  	v60 =	vld [tilespmem:s18+$0x5300];
	v32 =	vpop (erf);
	(erf) = vpow2.f32 v23;
	v23 =	vmul.f32 $1.442695020e+00, v55  }
0x10e: {  	v33 =	vpop (erf);
	(erf) = vpow2.f32 v22;
	v22 =	vmul.f32 $1.442695020e+00, v56  }
0x10f: {  	v34 =	vpop (erf);
	(erf) = vpow2.f32 v23;
	v23 =	vmul.f32 $1.442695020e+00, v57  }
0x110: {  	v61 =	vld [tilespmem:s18+$0x5380];
	v35 =	vpop (erf);
	(erf) = vpow2.f32 v22;
	v22 =	vmul.f32 $1.442695020e+00, v58  }
0x111: {  	v36 =	vpop (erf);
	(erf) = vpow2.f32 v23;
	v23 =	vmul.f32 $1.442695020e+00, v59  }
0x112: {  	v37 =	vpop (erf);
	(erf) = vpow2.f32 v22;
	v22 =	vmul.f32 $1.442695020e+00, v60  }
0x113: {  	v38 =	vpop (erf);
	(erf) = vpow2.f32 v23  }
0x114: {  	v39 =	vpop (erf);
	(erf) = vpow2.f32 v22;
	v22 =	vld [tilespmem:s18+$0x5400]  }
0x115: {  	v23 =	vmul.f32 $1.442695020e+00, v61;
	_ =	sdelay $0x1  }
0x116: {  	v40 =	vpop (erf);
	(erf) = vpow2.f32 v23  }
0x117: {  	v41 =	vpop (erf)  }
0x118: {  	v42 =	vpop (erf);
	v22 =	vmul.f32 $1.442695020e+00, v22  }
0x119: {  	v43 =	vpop (erf)  }
0x11a: {  	v63 =	vadd.f32 v35, v34;
	v45 =	vadd.f32 v37, v36;
	v44 =	vpop (erf);
	(erf) = vpow2.f32 v22  }
0x11b: {  	v62 =	vadd.f32 v33, v32;
	v46 =	vadd.f32 v39, v38;
	v29 =	vpop (erf)  }
0x11c: {  	v54 =	vadd.f32 v45, v63;
	v47 =	vadd.f32 v41, v40;
	v28 =	vpop (erf)  }
0x11d: {  	v48 =	vadd.f32 v43, v42;
	v22 =	vadd.f32 v31, v30;
	v26 =	vpop (erf)  }
0x11e: {  	v55 =	vadd.f32 v47, v46;
	v49 =	vadd.f32 v29, v44;
	v25 =	vpop (erf)  }
0x11f: {  	v50 =	vadd.f32 v26, v28;
	v22 =	vadd.f32 v62, v22;
	v23 =	vpop (erf)  }
0x120: {  	v56 =	vadd.f32 v49, v48;
	v51 =	vadd.f32 v23, v25  }
0x121: {  	v22 =	vadd.f32 v54, v22  }
0x122: {  	v27 =	vadd.f32 v56, v55;
	v57 =	vadd.f32 v51, v50  }
0x123: {  	v24 =	vpop (erf)  }
0x124: {  	v22 =	vadd.f32 v27, v22;
	v58 =	vadd.f32 v57, v24;
	_ =	sdelay $0x1  }
0x125: {  	v22 =	vadd.f32 v58, v22;
	_ =	sdelay $0x1  }
0x126: {  	(erf) = vrcp.f32 v22;
	_ =	sdelay $0x8  }
0x127: {  	v22 =	vpop (erf)  }
0x128: {  	v27 =	vmul.f32 $1.024000000e+03, v22;
	_ =	sdelay $0x1  }
0x129: {  	v30 =	vmul.f32 v27, v30  }
0x12a: {  	v31 =	vmul.f32 v27, v31;
	v32 =	vmul.f32 v27, v32  }
0x12b: {  	v33 =	vmul.f32 v27, v33;
	v34 =	vmul.f32 v27, v34  }
0x12c: {  	v35 =	vmul.f32 v27, v35;
	v36 =	vmul.f32 v27, v36  }
0x12d: {  	v37 =	vmul.f32 v27, v37;
	v38 =	vmul.f32 v27, v38  }
0x12e: {  	v39 =	vmul.f32 v27, v39;
	v40 =	vmul.f32 v27, v40  }
0x12f: {  	v41 =	vmul.f32 v27, v41;
	v42 =	vmul.f32 v27, v42  }
0x130: {  	v43 =	vmul.f32 v27, v43;
	v44 =	vmul.f32 v27, v44  }
0x131: {  	v29 =	vmul.f32 v27, v29;
	v28 =	vmul.f32 v27, v28  }
0x132: {  	v26 =	vmul.f32 v27, v26;
	v25 =	vmul.f32 v27, v25  }
0x133: {  	v23 =	vmul.f32 v27, v23;
	v24 =	vmul.f32 v27, v24  }
0x134: {  	v30 =	vmin.f32 v30, $1.023500000e+03;
	v31 =	vmin.f32 v31, $1.023500000e+03;
	v32 =	vmin.f32 v32, $1.023500000e+03  }
0x135: {  	v33 =	vmin.f32 v33, $1.023500000e+03;
	v34 =	vmin.f32 v34, $1.023500000e+03;
	v35 =	vmin.f32 v35, $1.023500000e+03  }
0x136: {  	v22 =	vld [tilespmem:s21+$0x0];
	v36 =	vmin.f32 v36, $1.023500000e+03;
	v37 =	vmin.f32 v37, $1.023500000e+03;
	v38 =	vmin.f32 v38, $1.023500000e+03  }
0x137: {  	v39 =	vmin.f32 v39, $1.023500000e+03;
	v40 =	vmin.f32 v40, $1.023500000e+03;
	v41 =	vmin.f32 v41, $1.023500000e+03  }
0x138: {  	v42 =	vmin.f32 v42, $1.023500000e+03;
	v43 =	vmin.f32 v43, $1.023500000e+03;
	v44 =	vmin.f32 v44, $1.023500000e+03  }
0x139: {  	v29 =	vmin.f32 v29, $1.023500000e+03;
	v28 =	vmin.f32 v28, $1.023500000e+03;
	v26 =	vmin.f32 v26, $1.023500000e+03  }
0x13a: {  	v25 =	vmin.f32 v25, $1.023500000e+03;
	v23 =	vmin.f32 v23, $1.023500000e+03;
	v24 =	vmin.f32 v24, $1.023500000e+03  }
0x13b: {  	v30 =	vtrunc.f32 v30;
	vm0 =	veq.s32 v22, $0x0;
	v31 =	vtrunc.f32 v31  }
0x13c: {  	vm8 =	veq.s32 v22, $0x1;
	v32 =	vtrunc.f32 v32;
	vm9 =	veq.s32 v22, $0x2  }
0x13d: {  	v33 =	vtrunc.f32 v33;
	vm10 =	veq.s32 v22, $0x3;
	v34 =	vtrunc.f32 v34  }
0x13e: {  	vm11 =	veq.s32 v22, $0x4;
	v35 =	vtrunc.f32 v35;
	vm12 =	veq.s32 v22, $0x5  }
0x13f: {  	v36 =	vtrunc.f32 v36;
	vm13 =	veq.s32 v22, $0x6;
	v37 =	vtrunc.f32 v37  }
0x140: {  	vm14 =	veq.s32 v22, $0x7;
	v38 =	vtrunc.f32 v38;
	v39 =	vtrunc.f32 v39  }
0x141: {  	vm15 =	veq.s32 v22, $0x8;
	v40 =	vtrunc.f32 v40;
	v41 =	vtrunc.f32 v41  }
0x142: {  	vm4 =	veq.s32 v22, $0x9;
	v42 =	vtrunc.f32 v42;
	v43 =	vtrunc.f32 v43  }
0x143: {  	vm5 =	veq.s32 v22, $0xA;
	v44 =	vtrunc.f32 v44;
	v29 =	vtrunc.f32 v29  }
0x144: {  	vm6 =	veq.s32 v22, $0xB;
	v28 =	vtrunc.f32 v28;
	v26 =	vtrunc.f32 v26  }
0x145: {  	vm7 =	veq.s32 v22, $0xC;
	v25 =	vtrunc.f32 v25;
	v23 =	vtrunc.f32 v23  }
0x146: {  	v24 =	vtrunc.f32 v24;
	v30 =	vcvt.f32.s32 v30;
	v59 =	vsel vm0, $0x5400, v0  }
0x147: {  	v31 =	vcvt.f32.s32 v31;
	v60 =	vsel vm8, $0x5800, v2;
	v32 =	vcvt.f32.s32 v32  }
0x148: {  	v61 =	vsel vm9, $0x5C00, v3;
	v33 =	vcvt.f32.s32 v33;
	v62 =	vsel vm10, $0x6000, v4  }
0x149: {  	v34 =	vcvt.f32.s32 v34;
	v63 =	vsel vm11, $0x6400, v5;
	v35 =	vcvt.f32.s32 v35  }
0x14a: {  	v48 =	vsel vm12, $0x6800, v6;
	v36 =	vcvt.f32.s32 v36;
	v30 =	vadd.s32 v30, v59  }
0x14b: {  	v49 =	vsel vm13, $0x6C00, v7;
	v37 =	vcvt.f32.s32 v37;
	v31 =	vadd.s32 v31, v60  }
0x14c: {  	v50 =	vsel vm14, $0x7000, v8;
	v38 =	vcvt.f32.s32 v38;
	v32 =	vadd.s32 v32, v61  }
0x14d: {  	v51 =	vsel vm15, $0x7400, v9;
	v39 =	vcvt.f32.s32 v39;
	v33 =	vadd.s32 v33, v62  }
0x14e: {  	v52 =	vsel vm4, $0x7800, v10;
	v40 =	vcvt.f32.s32 v40;
	v34 =	vadd.s32 v34, v63  }
0x14f: {  	v53 =	vsel vm5, $0x7C00, v11;
	v41 =	vcvt.f32.s32 v41;
	v35 =	vadd.s32 v35, v48;
	[tilespmem:v30+s16+$0x0] =	vst.idx.add.s32.msk $0xffff, v1  }
0x150: {  	v54 =	vsel vm6, $0x8000, v12;
	v42 =	vcvt.f32.s32 v42;
	v36 =	vadd.s32 v36, v49;
	[tilespmem:v31+s16+$0x0] =	vst.idx.add.s32.msk $0xffff, v1  }
0x151: {  	v55 =	vsel vm7, $0x8400, v13;
	vm8 =	veq.s32 v22, $0xD;
	v37 =	vadd.s32 v37, v50;
	[tilespmem:v32+s16+$0x0] =	vst.idx.add.s32.msk $0xffff, v1  }
0x152: {  	v43 =	vcvt.f32.s32 v43;
	v44 =	vcvt.f32.s32 v44;
	v38 =	vadd.s32 v38, v51;
	[tilespmem:v33+s16+$0x0] =	vst.idx.add.s32.msk $0xffff, v1  }
0x153: {  	vm9 =	veq.s32 v22, $0xE;
	v29 =	vcvt.f32.s32 v29;
	v39 =	vadd.s32 v39, v52;
	[tilespmem:v34+s16+$0x0] =	vst.idx.add.s32.msk $0xffff, v1  }
0x154: {  	vm10 =	veq.s32 v22, $0xF;
	v28 =	vcvt.f32.s32 v28;
	v40 =	vadd.s32 v40, v53;
	[tilespmem:v35+s16+$0x0] =	vst.idx.add.s32.msk $0xffff, v1  }
0x155: {  	vm11 =	veq.s32 v22, $0x10;
	v26 =	vcvt.f32.s32 v26;
	v41 =	vadd.s32 v41, v54;
	[tilespmem:v36+s16+$0x0] =	vst.idx.add.s32.msk $0xffff, v1  }
0x156: {  	vm12 =	veq.s32 v22, $0x11;
	v56 =	vsel vm8, $0x8800, v14;
	v42 =	vadd.s32 v42, v55;
	[tilespmem:v37+s16+$0x0] =	vst.idx.add.s32.msk $0xffff, v1  }
0x157: {  	v25 =	vcvt.f32.s32 v25;
	v58 =	vsel vm9, $0x8C00, v15;
	v57 =	vadd.s32 v43, v56;
	[tilespmem:v38+s16+$0x0] =	vst.idx.add.s32.msk $0xffff, v1  }
0x158: {  	vm13 =	veq.s32 v22, $0x12;
	v59 =	vsel vm10, $0x9000, v16;
	v31 =	vadd.s32 v44, v58;
	[tilespmem:v39+s16+$0x0] =	vst.idx.add.s32.msk $0xffff, v1  }
0x159: {  	v23 =	vcvt.f32.s32 v23;
	v60 =	vsel vm11, $0x9400, v17;
	v29 =	vadd.s32 v29, v59;
	[tilespmem:v40+s16+$0x0] =	vst.idx.add.s32.msk $0xffff, v1  }
0x15a: {  	vm14 =	veq.s32 v22, $0x13;
	v61 =	vsel vm12, $0x9800, v18;
	v28 =	vadd.s32 v28, v60;
	[tilespmem:v41+s16+$0x0] =	vst.idx.add.s32.msk $0xffff, v1  }
0x15b: {  	v24 =	vcvt.f32.s32 v24;
	v62 =	vsel vm13, $0x9C00, v19;
	v26 =	vadd.s32 v26, v61;
	[tilespmem:v42+s16+$0x0] =	vst.idx.add.s32.msk $0xffff, v1  }
0x15c: {  	vm15 =	veq.s32 v22, $0x14;
	v63 =	vsel vm14, $0xA000, v20;
	v25 =	vadd.s32 v25, v62;
	[tilespmem:v57+s16+$0x0] =	vst.idx.add.s32.msk $0xffff, v1  }
0x15d: {  	v22 =	vadd.s32 v23, v63;
	v23 =	vsel vm15, $0xA400, v21;
	[tilespmem:v31+s16+$0x0] =	vst.idx.add.s32.msk $0xffff, v1  }
0x15e: {  	p0 =	sne.s32 s8, $0x1F0;
	v23 =	vadd.s32 v24, v23;
	[tilespmem:v29+s16+$0x0] =	vst.idx.add.s32.msk $0xffff, v1  }
.Ltmp2:
0x15f: {  	[tilespmem:v28+s16+$0x0] =	vst.idx.add.s32.msk $0xffff, v1;
	(pc) =	sbr.rel @p0 .LBB2_7-.Ltmp2, $4  }
0x160: {  	[tilespmem:v26+s16+$0x0] =	vst.idx.add.s32.msk $0xffff, v1  }
0x161: {  	[tilespmem:v25+s16+$0x0] =	vst.idx.add.s32.msk $0xffff, v1  }
0x162: {  	[tilespmem:v22+s16+$0x0] =	vst.idx.add.s32.msk $0xffff, v1  }
0x163: {  	s20 =	sadd.s32 $0x80, s20;
	s8 =	sadd.s32 $0x10, s8;
	s21 =	sadd.s32 $0x10, s21;
	[tilespmem:v23+s16+$0x0] =	vst.idx.add.s32.msk $0xffff, v1  }
0x164: {  	s19 =	sadd.s32 $0x1, s19  }
0x165: {  	p0 =	sne.s32 s19, $0x20  }
.Ltmp3:
0x166: {  	_ = 	snop;
	(pc) =	sbr.rel @p0 .LBB2_4-.Ltmp3, $1  }
0x167: {  	_ =	sdelay $0x3  }
0x168: {  	s0 =	rddreg [dreg:$0x7];
	s2 =	simm.s32 $0x3  }
0x169: {  	[hbm4b:s0+s23] =	stream.strided.scatter [tilespmem:s16], [sflag:$0x3], $0xA800, s25, s23, $0x38;
	[tilespmem:$0x10C00] =	vst v63  }
0x16a: {  	_ =	swait.ge [sflag:s2], $0xA800  }
0x16b: {  	s4 =	rddreg [dreg:$0x4]  }
0x16c: {  	s31 =	rddreg [dreg:$0x8];
	s4 =	sadd.s32 $0x1, s4  }
0x16d: {  	p0 =	sne.s32 s4, s31  }
.Ltmp4:
0x16e: {  	_ = 	snop;
	(pc) =	sbr.rel @p0 .LBB2_1-.Ltmp4, $3  }
0x16f: {  	_ =	sdelay $0x1  }
0x170: {  	[sflag:s2] =	ssyncset.done $0x0  }
0x171: {  	[sflag:s2] =	ssyncadd.s32 $0xFFFF5800  }
0x172: {  	_ =	sfence.sel $0x180000  }
0x173: {  	[bflag:$0x0] =	sbarrier.arrive $0xFFFF  }
0x174: {  	_ =	strace $0x90000047  }
0x175: {  	s0 =	stileid.u32;
	[bflag:$0x2] =	sbarrier.arrive $0xFFFF  }
0x176: {  	p0 =	sne.s32 s0, $0x0;
	s0 =	rddreg [dreg:$0x3]  }
0x177: {  	s0 =	sadd.s32 @!p0 $0x100000, s0  }
0x178: {  	[sflag:s0] =	ssyncadd.tile.s32 @!p0 $0x1;
	_ =	shalt  }
.Lfunc_end2:
_tile_overlayer_lowered:
.L_overlay_start_2:
0x179: {  	(tag) =	ssettag $0x2  }
0x17a: {  	s0 =	rddreg [dreg:$0x0];
	s2 =	stileid.u32  }
0x17b: {  	s1 =	rddreg [dreg:$0x1];
	p0 =	sne.s32 s2, $0x0  }
0x17c: {  	s3 =	rddreg [dreg:$0x2];
	[bflag:$0x3] =	sbarrier.arrive $0xFFFF;
	s2 =	simm.s32 @!p0 $0x1C03  }
0x17d: {  	[timem:s3], [sflag:s2] =	dma.local @!p0 [hbm:s0], s1  }
0x17e: {  	s0 =	simm.s32 @!p0 $0x3  }
0x17f: {  	_ =	swait.ge @!p0 [sflag:s0], s1  }
0x180: {  	s1 =	ssub.s32 @!p0 $0x0, s1;
	[sflag:s0] =	ssyncset.done @!p0 $0x0  }
0x181: {  	[sflag:s0] =	ssyncadd.s32 @!p0 s1  }
0x182: {  	[bflag:$0x3] =	sbarrier.arrive $0xFFFF  }
0x183: {  	_ =	shalt  }

</sc_bundles>
